<compile_context>
chip_gen: v7x
topology: tpu7x:2x2x1
jax: 0.10.2.dev20260603
libtpu: 0.0.44.dev20260713+nightly
codegen_flags: <defaults>
</compile_context>

<pallas_src>
import jax
import jax.numpy as jnp
from jax import lax
from jax.experimental import pallas as pl
from jax.experimental.pallas import tpu as pltpu
from jax.experimental.pallas import tpu_sc as plsc

NUM_SEG = 10000
TBL = 10240
LANES = 128
BLK = 3200


def _att_tc_body(x_ref, w_ref, b_ref, att_ref, gmax_ref):
    i = pl.program_id(0)
    qk = jnp.dot(x_ref[...], w_ref[...], preferred_element_type=jnp.float32)
    qk = qk + b_ref[...]
    h = qk.shape[1] // 2
    att = jnp.sum(qk[:, :h] * qk[:, h:], axis=1, keepdims=True)
    att_ref[...] = att

    @pl.when(i == 0)
    def _():
        gmax_ref[...] = jnp.full((8, 128), -jnp.inf, jnp.float32)

    gmax_ref[...] = jnp.maximum(gmax_ref[...], jnp.max(att))


def _att_tc(x, w, b):
    n = x.shape[0]
    d = x.shape[1]
    h2 = w.shape[1]
    grid = n // BLK
    return pl.pallas_call(
        _att_tc_body,
        grid=(grid,),
        in_specs=[
            pl.BlockSpec((BLK, d), lambda i: (i, 0)),
            pl.BlockSpec((d, h2), lambda i: (0, 0)),
            pl.BlockSpec((1, h2), lambda i: (0, 0)),
        ],
        out_specs=[
            pl.BlockSpec((BLK, 1), lambda i: (i, 0)),
            pl.BlockSpec((8, 128), lambda i: (0, 0)),
        ],
        out_shape=[
            jax.ShapeDtypeStruct((n, 1), jnp.float32),
            jax.ShapeDtypeStruct((8, 128), jnp.float32),
        ],
    )(x, w, b)


def _make_sc_softmax(rows):
    rows_per_tile = rows // 16
    out_rows = rows // 32
    stripe = TBL // 16

    def body(att_hbm, rid_hbm, gmax_hbm, out_hbm,
             e_v, rid_v, g_v, den_v, z_v, den_sh, sem):
        c = lax.axis_index("c")
        s = lax.axis_index("s")
        row0 = s * rows_per_tile
        pltpu.sync_copy(att_hbm.at[pl.ds(row0, rows_per_tile)], e_v)
        pltpu.sync_copy(rid_hbm.at[pl.ds(row0, rows_per_tile)], rid_v)
        pltpu.sync_copy(gmax_hbm, g_v)
        g = g_v[...]

        @pl.loop(0, stripe // 16)
        def _z(i):
            z_v[pl.ds(i * 16, 16)] = jnp.zeros((16,), jnp.float32)

        pltpu.sync_copy(z_v, den_sh.at[pl.ds(s * stripe, stripe)])

        @pl.loop(0, rows_per_tile)
        def _e(r):
            for v in range(8):
                sl = pl.ds(v * 16, 16)
                e_v[r, sl] = jnp.exp(e_v[r, sl] - g)

        plsc.subcore_barrier()

        @pl.loop(0, rows_per_tile // 8)
        def _sc(i):
            handles = []
            for k in range(8):
                r = i * 8 + k
                handles.append(
                    pltpu.async_copy(
                        e_v.at[r], den_sh.at[rid_v.at[r]], sem, add=True
                    )
                )
            for hd in handles:
                hd.wait()

        plsc.subcore_barrier()
        pltpu.sync_copy(den_sh, den_v)

        lr0 = out_rows * c

        @pl.loop(0, out_rows)
        def _o(r):
            lr = lr0 + r
            for v in range(8):
                sl = pl.ds(v * 16, 16)
                idx = rid_v[lr, sl]
                d = plsc.load_gather(den_v, [idx])
                e_v[lr, sl] = e_v[lr, sl] / d

        pltpu.sync_copy(
            e_v.at[pl.ds(lr0, out_rows)],
            out_hbm.at[pl.ds(row0 + lr0, out_rows)],
        )

    return pl.kernel(
        body,
        out_type=jax.ShapeDtypeStruct((rows, LANES), jnp.float32),
        mesh=plsc.VectorSubcoreMesh(core_axis_name="c", subcore_axis_name="s"),
        compiler_params=pltpu.CompilerParams(needs_layout_passes=False),
        scratch_types=[
            pltpu.VMEM((rows_per_tile, LANES), jnp.float32),
            pltpu.VMEM((rows_per_tile, LANES), jnp.int32),
            pltpu.VMEM((16,), jnp.float32),
            pltpu.VMEM((TBL,), jnp.float32),
            pltpu.VMEM((stripe,), jnp.float32),
            pltpu.VMEM_SHARED((TBL,), jnp.float32),
            pltpu.SemaphoreType.DMA,
        ],
    )


def kernel(review_x, review_to_rest_idx, Wq, bq, Wk, bk):
    n = review_x.shape[0]
    w = jnp.concatenate([Wq, Wk], axis=1)
    b = jnp.concatenate([bq, bk])[None, :]
    att, gmax8 = _att_tc(review_x, w, b)

    rows_real = n // LANES
    rows = ((rows_real + 255) // 256) * 256
    pad_rows = rows - rows_real
    att2d = att.reshape(rows_real, LANES)
    att2d = jnp.pad(att2d, ((0, pad_rows), (0, 0)), constant_values=-1e30)
    rid2d = jnp.pad(review_to_rest_idx, (0, pad_rows * LANES)).reshape(
        rows, LANES
    )
    gvec = gmax8[0, :16]

    w2d = _make_sc_softmax(rows)(att2d, rid2d, gvec)
    return w2d.reshape(-1)[:n]

# --- scband reference (transcript-rebuilt; emitter-appended) ---
"""Pipeline reference for scband-review-credibility-gat-76149770158551 (READ-ONLY COPY).

The authoritative reference and input builder live on the scoring server;
editing this copy changes nothing except your own understanding.
"""

import jax, jax.numpy as jnp
import numpy as np

N = 320000
D = 128
H = 32
NUM_REST = 10000


def setup_inputs(seed: int = 0) -> dict:
    key = jax.random.key(seed)
    k1, k2, k3, k4, k5, k6 = jax.random.split(key, 6)
    review_x = jax.random.normal(k1, (N, D), dtype=jnp.float32)
    review_to_rest_idx = jnp.sort(
        jax.random.randint(k2, (N,), 0, NUM_REST, dtype=jnp.int32)
    )
    s = 1.0 / np.sqrt(D)
    Wq = jax.random.normal(k3, (D, H), dtype=jnp.float32) * s
    bq = jnp.zeros((H,), dtype=jnp.float32)
    Wk = jax.random.normal(k4, (D, H), dtype=jnp.float32) * s
    bk = jnp.zeros((H,), dtype=jnp.float32)
    return {
        "review_x": review_x,
        "review_to_rest_idx": review_to_rest_idx,
        "Wq": Wq,
        "bq": bq,
        "Wk": Wk,
        "bk": bk,
    }


def reference(review_x, review_to_rest_idx, Wq, bq, Wk, bk):
    # qv = self.q(review_x); kv = self.k(review_x)
    qv = review_x @ Wq + bq
    kv = review_x @ Wk + bk
    # att = (qv * kv).sum(-1)
    att = jnp.sum(qv * kv, axis=-1)
    # per-restaurant softmax over review scores (torch loop over unique groups
    # is equivalent to a segment softmax since groups are disjoint)
    seg_max = jax.ops.segment_max(att, review_to_rest_idx, num_segments=NUM_REST)
    att_shift = att - seg_max[review_to_rest_idx]
    e = jnp.exp(att_shift)
    denom = jax.ops.segment_sum(e, review_to_rest_idx, num_segments=NUM_REST)
    weights = e / denom[review_to_rest_idx]
    return weights

if __name__ == "__main__":
    import jax
    _d = setup_inputs()
    print(jax.jit(kernel)(*tuple(_d.values())))

</pallas_src>

<mosaic_0001>
#map = affine_map<(d0, d1) -> (0, 0)>
#map1 = affine_map<(d0, d1) -> (0)>
module attributes {stable_mosaic.version = 14 : i64} {
  func.func @body(%arg0: i32, %arg1: i32, %arg2: memref<2560x128xf32, #tpu.memory_space<hbm>>, %arg3: memref<2560x128xi32, #tpu.memory_space<hbm>>, %arg4: memref<16xf32, #tpu.memory_space<hbm>>, %arg5: memref<2560x128xf32, #tpu.memory_space<hbm>>, %arg6: memref<160x128xf32, #tpu.memory_space<vmem>>, %arg7: memref<160x128xi32, #tpu.memory_space<vmem>>, %arg8: memref<16xf32, #tpu.memory_space<vmem>>, %arg9: memref<10240xf32, #tpu.memory_space<vmem>>, %arg10: memref<640xf32, #tpu.memory_space<vmem>>, %arg11: memref<10240xf32, #tpu.memory_space<vmem_shared>>, %arg12: memref<!tpu.dma_semaphore, #tpu.memory_space<semaphore_mem>>) attributes {dimension_semantics = [#tpu.dimension_semantics<core_parallel>, #tpu.dimension_semantics<subcore_parallel>], iteration_bounds = array<i64: 2, 16>, scalar_prefetch = 0 : i64, scratch_operands = 7 : i64, tpu.core_type = #tpu.core_type<sc_vector_subcore>, window_params = [{transform_indices = #map}, {transform_indices = #map}, {transform_indices = #map1}, {transform_indices = #map}]} {
    %mul3A = arith.constant 160 : i32
    %mul3A_0 = arith.muli %arg1, %mul3A : i32
    "tpu.region"() ({
      %run_scoped3A = tpu.sem_alloc : memref<!tpu.dma_semaphore, #tpu.memory_space<semaphore_mem>>
      %dma_start3A = arith.constant 0 : i32
      %dma_start3A_26 = tpu.memref_slice %arg2[%mul3A_0, %dma_start3A] : memref<2560x128xf32, #tpu.memory_space<hbm>> -> memref<160x128xf32, #tpu.memory_space<hbm>>
      %dma_start3A_27 = arith.constant 0 : i32
      %dma_start3A_28 = tpu.memref_slice %arg2[%mul3A_0, %dma_start3A_27] : memref<2560x128xf32, #tpu.memory_space<hbm>> -> memref<160x128xf32, #tpu.memory_space<hbm>>
      tpu.enqueue_dma source(%dma_start3A_28 : memref<160x128xf32, #tpu.memory_space<hbm>>) target(%arg6 : memref<160x128xf32, #tpu.memory_space<vmem>>) target_semaphore(%run_scoped3A : memref<!tpu.dma_semaphore, #tpu.memory_space<semaphore_mem>>)
      %dma_wait3A = arith.constant 0 : i32
      %dma_wait3A_29 = tpu.memref_slice %arg2[%mul3A_0, %dma_wait3A] : memref<2560x128xf32, #tpu.memory_space<hbm>> -> memref<160x128xf32, #tpu.memory_space<hbm>>
      %dma_wait3A_30 = arith.constant 0 : i32
      %dma_wait3A_31 = tpu.memref_slice %arg2[%mul3A_0, %dma_wait3A_30] : memref<2560x128xf32, #tpu.memory_space<hbm>> -> memref<160x128xf32, #tpu.memory_space<hbm>>
      tpu.wait_dma2 semaphore(%run_scoped3A : memref<!tpu.dma_semaphore, #tpu.memory_space<semaphore_mem>>) src(%dma_wait3A_31 : memref<160x128xf32, #tpu.memory_space<hbm>>) dst(%arg6 : memref<160x128xf32, #tpu.memory_space<vmem>>)
      tpu.yield
    }) : () -> ()
    "tpu.region"() ({
      %run_scoped3A = tpu.sem_alloc : memref<!tpu.dma_semaphore, #tpu.memory_space<semaphore_mem>>
      %dma_start3A = arith.constant 0 : i32
      %dma_start3A_26 = tpu.memref_slice %arg3[%mul3A_0, %dma_start3A] : memref<2560x128xi32, #tpu.memory_space<hbm>> -> memref<160x128xi32, #tpu.memory_space<hbm>>
      %dma_start3A_27 = arith.constant 0 : i32
      %dma_start3A_28 = tpu.memref_slice %arg3[%mul3A_0, %dma_start3A_27] : memref<2560x128xi32, #tpu.memory_space<hbm>> -> memref<160x128xi32, #tpu.memory_space<hbm>>
      tpu.enqueue_dma source(%dma_start3A_28 : memref<160x128xi32, #tpu.memory_space<hbm>>) target(%arg7 : memref<160x128xi32, #tpu.memory_space<vmem>>) target_semaphore(%run_scoped3A : memref<!tpu.dma_semaphore, #tpu.memory_space<semaphore_mem>>)
      %dma_wait3A = arith.constant 0 : i32
      %dma_wait3A_29 = tpu.memref_slice %arg3[%mul3A_0, %dma_wait3A] : memref<2560x128xi32, #tpu.memory_space<hbm>> -> memref<160x128xi32, #tpu.memory_space<hbm>>
      %dma_wait3A_30 = arith.constant 0 : i32
      %dma_wait3A_31 = tpu.memref_slice %arg3[%mul3A_0, %dma_wait3A_30] : memref<2560x128xi32, #tpu.memory_space<hbm>> -> memref<160x128xi32, #tpu.memory_space<hbm>>
      tpu.wait_dma2 semaphore(%run_scoped3A : memref<!tpu.dma_semaphore, #tpu.memory_space<semaphore_mem>>) src(%dma_wait3A_31 : memref<160x128xi32, #tpu.memory_space<hbm>>) dst(%arg7 : memref<160x128xi32, #tpu.memory_space<vmem>>)
      tpu.yield
    }) : () -> ()
    "tpu.region"() ({
      %run_scoped3A = tpu.sem_alloc : memref<!tpu.dma_semaphore, #tpu.memory_space<semaphore_mem>>
      tpu.enqueue_dma source(%arg4 : memref<16xf32, #tpu.memory_space<hbm>>) target(%arg8 : memref<16xf32, #tpu.memory_space<vmem>>) target_semaphore(%run_scoped3A : memref<!tpu.dma_semaphore, #tpu.memory_space<semaphore_mem>>)
      tpu.wait_dma2 semaphore(%run_scoped3A : memref<!tpu.dma_semaphore, #tpu.memory_space<semaphore_mem>>) src(%arg4 : memref<16xf32, #tpu.memory_space<hbm>>) dst(%arg8 : memref<16xf32, #tpu.memory_space<vmem>>)
      tpu.yield
    }) : () -> ()
    %get3A = arith.constant 0 : index
    %get3A_1 = tpu.vector_load %arg8[%get3A] {strides = array<i32>} : memref<16xf32, #tpu.memory_space<vmem>>, vector<16xf32>,
    %scan3A = arith.constant 0 : i32
    %scan3A_2 = arith.constant 40 : i32
    %scan3A_3 = arith.addi %scan3A, %scan3A_2 : i32
    %scan3A_4 = arith.constant 1 : i32
    scf.for %scan3A_26 = %scan3A to %scan3A_3 step %scan3A_4  : i32 {
      %mul3A_27 = arith.constant 1 : i32
      %mul3A_28 = arith.muli %scan3A_26, %mul3A_27 : i32
      %add3A_29 = arith.constant 0 : i32
      %add3A_30 = arith.addi %add3A_29, %mul3A_28 : i32
      %broadcast_in_dim3A = arith.constant 0.000000e+00 : f32
      %broadcast_in_dim3A_31 = vector.broadcast %broadcast_in_dim3A : f32 to vector<16xf32>
      %mul3A_32 = arith.constant 16 : i32
      %mul3A_33 = arith.muli %add3A_30, %mul3A_32 : i32
      %swap3A = arith.index_cast %mul3A_33 : i32 to index
      %swap3A_34 = tpu.vector_load %arg10[%swap3A] {strides = array<i32>} : memref<640xf32, #tpu.memory_space<vmem>>, vector<16xf32>,
      tpu.vector_store %arg10[%swap3A], %broadcast_in_dim3A_31 {strides = array<i32>} : memref<640xf32, #tpu.memory_space<vmem>>, vector<16xf32>,
    }
    %scan3A_5 = arith.constant 40 : i32
    %mul3A_6 = arith.constant 640 : i32
    %mul3A_7 = arith.muli %arg1, %mul3A_6 : i32
    "tpu.region"() ({
      %run_scoped3A = tpu.sem_alloc : memref<!tpu.dma_semaphore, #tpu.memory_space<semaphore_mem>>
      %dma_start3A = tpu.memref_slice %arg11[%mul3A_7] : memref<10240xf32, #tpu.memory_space<vmem_shared>> -> memref<640xf32, #tpu.memory_space<vmem_shared>>
      %dma_start3A_26 = tpu.memref_slice %arg11[%mul3A_7] : memref<10240xf32, #tpu.memory_space<vmem_shared>> -> memref<640xf32, #tpu.memory_space<vmem_shared>>
      tpu.enqueue_dma source(%arg10 : memref<640xf32, #tpu.memory_space<vmem>>) target(%dma_start3A_26 : memref<640xf32, #tpu.memory_space<vmem_shared>>) target_semaphore(%run_scoped3A : memref<!tpu.dma_semaphore, #tpu.memory_space<semaphore_mem>>)
      %dma_wait3A = tpu.memref_slice %arg11[%mul3A_7] : memref<10240xf32, #tpu.memory_space<vmem_shared>> -> memref<640xf32, #tpu.memory_space<vmem_shared>>
      %dma_wait3A_27 = tpu.memref_slice %arg11[%mul3A_7] : memref<10240xf32, #tpu.memory_space<vmem_shared>> -> memref<640xf32, #tpu.memory_space<vmem_shared>>
      tpu.wait_dma2 semaphore(%run_scoped3A : memref<!tpu.dma_semaphore, #tpu.memory_space<semaphore_mem>>) src(%arg10 : memref<640xf32, #tpu.memory_space<vmem>>) dst(%dma_wait3A_27 : memref<640xf32, #tpu.memory_space<vmem_shared>>)
      tpu.yield
    }) : () -> ()
    %scan3A_8 = arith.constant 0 : i32
    %scan3A_9 = arith.constant 160 : i32
    %scan3A_10 = arith.addi %scan3A_8, %scan3A_9 : i32
    %scan3A_11 = arith.constant 1 : i32
    scf.for %scan3A_26 = %scan3A_8 to %scan3A_10 step %scan3A_11  : i32 {
      %mul3A_27 = arith.constant 1 : i32
      %mul3A_28 = arith.muli %scan3A_26, %mul3A_27 : i32
      %add3A_29 = arith.constant 0 : i32
      %add3A_30 = arith.addi %add3A_29, %mul3A_28 : i32
      %get3A_31 = arith.index_cast %add3A_30 : i32 to index
      %get3A_32 = arith.constant 0 : index
      %get3A_33 = tpu.vector_load %arg6[%get3A_31, %get3A_32] {strides = array<i32>} : memref<160x128xf32, #tpu.memory_space<vmem>>, vector<16xf32>,
      %sub3A = arith.subf %get3A_33, %get3A_1 : vector<16xf32>
      %exp3A = math.exp %sub3A : vector<16xf32>
      %swap3A = arith.index_cast %add3A_30 : i32 to index
      %swap3A_34 = arith.constant 0 : index
      %swap3A_35 = tpu.vector_load %arg6[%swap3A, %swap3A_34] {strides = array<i32>} : memref<160x128xf32, #tpu.memory_space<vmem>>, vector<16xf32>,
      tpu.vector_store %arg6[%swap3A, %swap3A_34], %exp3A {strides = array<i32>} : memref<160x128xf32, #tpu.memory_space<vmem>>, vector<16xf32>,
      %get3A_36 = arith.index_cast %add3A_30 : i32 to index
      %get3A_37 = arith.constant 16 : index
      %get3A_38 = tpu.vector_load %arg6[%get3A_36, %get3A_37] {strides = array<i32>} : memref<160x128xf32, #tpu.memory_space<vmem>>, vector<16xf32>,
      %sub3A_39 = arith.subf %get3A_38, %get3A_1 : vector<16xf32>
      %exp3A_40 = math.exp %sub3A_39 : vector<16xf32>
      %swap3A_41 = arith.index_cast %add3A_30 : i32 to index
      %swap3A_42 = arith.constant 16 : index
      %swap3A_43 = tpu.vector_load %arg6[%swap3A_41, %swap3A_42] {strides = array<i32>} : memref<160x128xf32, #tpu.memory_space<vmem>>, vector<16xf32>,
      tpu.vector_store %arg6[%swap3A_41, %swap3A_42], %exp3A_40 {strides = array<i32>} : memref<160x128xf32, #tpu.memory_space<vmem>>, vector<16xf32>,
      %get3A_44 = arith.index_cast %add3A_30 : i32 to index
      %get3A_45 = arith.constant 32 : index
      %get3A_46 = tpu.vector_load %arg6[%get3A_44, %get3A_45] {strides = array<i32>} : memref<160x128xf32, #tpu.memory_space<vmem>>, vector<16xf32>,
      %sub3A_47 = arith.subf %get3A_46, %get3A_1 : vector<16xf32>
      %exp3A_48 = math.exp %sub3A_47 : vector<16xf32>
      %swap3A_49 = arith.index_cast %add3A_30 : i32 to index
      %swap3A_50 = arith.constant 32 : index
      %swap3A_51 = tpu.vector_load %arg6[%swap3A_49, %swap3A_50] {strides = array<i32>} : memref<160x128xf32, #tpu.memory_space<vmem>>, vector<16xf32>,
      tpu.vector_store %arg6[%swap3A_49, %swap3A_50], %exp3A_48 {strides = array<i32>} : memref<160x128xf32, #tpu.memory_space<vmem>>, vector<16xf32>,
      %get3A_52 = arith.index_cast %add3A_30 : i32 to index
      %get3A_53 = arith.constant 48 : index
      %get3A_54 = tpu.vector_load %arg6[%get3A_52, %get3A_53] {strides = array<i32>} : memref<160x128xf32, #tpu.memory_space<vmem>>, vector<16xf32>,
      %sub3A_55 = arith.subf %get3A_54, %get3A_1 : vector<16xf32>
      %exp3A_56 = math.exp %sub3A_55 : vector<16xf32>
      %swap3A_57 = arith.index_cast %add3A_30 : i32 to index
      %swap3A_58 = arith.constant 48 : index
      %swap3A_59 = tpu.vector_load %arg6[%swap3A_57, %swap3A_58] {strides = array<i32>} : memref<160x128xf32, #tpu.memory_space<vmem>>, vector<16xf32>,
      tpu.vector_store %arg6[%swap3A_57, %swap3A_58], %exp3A_56 {strides = array<i32>} : memref<160x128xf32, #tpu.memory_space<vmem>>, vector<16xf32>,
      %get3A_60 = arith.index_cast %add3A_30 : i32 to index
      %get3A_61 = arith.constant 64 : index
      %get3A_62 = tpu.vector_load %arg6[%get3A_60, %get3A_61] {strides = array<i32>} : memref<160x128xf32, #tpu.memory_space<vmem>>, vector<16xf32>,
      %sub3A_63 = arith.subf %get3A_62, %get3A_1 : vector<16xf32>
      %exp3A_64 = math.exp %sub3A_63 : vector<16xf32>
      %swap3A_65 = arith.index_cast %add3A_30 : i32 to index
      %swap3A_66 = arith.constant 64 : index
      %swap3A_67 = tpu.vector_load %arg6[%swap3A_65, %swap3A_66] {strides = array<i32>} : memref<160x128xf32, #tpu.memory_space<vmem>>, vector<16xf32>,
      tpu.vector_store %arg6[%swap3A_65, %swap3A_66], %exp3A_64 {strides = array<i32>} : memref<160x128xf32, #tpu.memory_space<vmem>>, vector<16xf32>,
      %get3A_68 = arith.index_cast %add3A_30 : i32 to index
      %get3A_69 = arith.constant 80 : index
      %get3A_70 = tpu.vector_load %arg6[%get3A_68, %get3A_69] {strides = array<i32>} : memref<160x128xf32, #tpu.memory_space<vmem>>, vector<16xf32>,
      %sub3A_71 = arith.subf %get3A_70, %get3A_1 : vector<16xf32>
      %exp3A_72 = math.exp %sub3A_71 : vector<16xf32>
      %swap3A_73 = arith.index_cast %add3A_30 : i32 to index
      %swap3A_74 = arith.constant 80 : index
      %swap3A_75 = tpu.vector_load %arg6[%swap3A_73, %swap3A_74] {strides = array<i32>} : memref<160x128xf32, #tpu.memory_space<vmem>>, vector<16xf32>,
      tpu.vector_store %arg6[%swap3A_73, %swap3A_74], %exp3A_72 {strides = array<i32>} : memref<160x128xf32, #tpu.memory_space<vmem>>, vector<16xf32>,
      %get3A_76 = arith.index_cast %add3A_30 : i32 to index
      %get3A_77 = arith.constant 96 : index
      %get3A_78 = tpu.vector_load %arg6[%get3A_76, %get3A_77] {strides = array<i32>} : memref<160x128xf32, #tpu.memory_space<vmem>>, vector<16xf32>,
      %sub3A_79 = arith.subf %get3A_78, %get3A_1 : vector<16xf32>
      %exp3A_80 = math.exp %sub3A_79 : vector<16xf32>
      %swap3A_81 = arith.index_cast %add3A_30 : i32 to index
      %swap3A_82 = arith.constant 96 : index
      %swap3A_83 = tpu.vector_load %arg6[%swap3A_81, %swap3A_82] {strides = array<i32>} : memref<160x128xf32, #tpu.memory_space<vmem>>, vector<16xf32>,
      tpu.vector_store %arg6[%swap3A_81, %swap3A_82], %exp3A_80 {strides = array<i32>} : memref<160x128xf32, #tpu.memory_space<vmem>>, vector<16xf32>,
      %get3A_84 = arith.index_cast %add3A_30 : i32 to index
      %get3A_85 = arith.constant 112 : index
      %get3A_86 = tpu.vector_load %arg6[%get3A_84, %get3A_85] {strides = array<i32>} : memref<160x128xf32, #tpu.memory_space<vmem>>, vector<16xf32>,
      %sub3A_87 = arith.subf %get3A_86, %get3A_1 : vector<16xf32>
      %exp3A_88 = math.exp %sub3A_87 : vector<16xf32>
      %swap3A_89 = arith.index_cast %add3A_30 : i32 to index
      %swap3A_90 = arith.constant 112 : index
      %swap3A_91 = tpu.vector_load %arg6[%swap3A_89, %swap3A_90] {strides = array<i32>} : memref<160x128xf32, #tpu.memory_space<vmem>>, vector<16xf32>,
      tpu.vector_store %arg6[%swap3A_89, %swap3A_90], %exp3A_88 {strides = array<i32>} : memref<160x128xf32, #tpu.memory_space<vmem>>, vector<16xf32>,
    }
    %scan3A_12 = arith.constant 160 : i32
    %barrier3A = arith.constant 0 : index
    tpu.barrier barrier_id(%barrier3A)
    %scan3A_13 = arith.constant 0 : i32
    %scan3A_14 = arith.constant 20 : i32
    %scan3A_15 = arith.addi %scan3A_13, %scan3A_14 : i32
    %scan3A_16 = arith.constant 1 : i32
    scf.for %scan3A_26 = %scan3A_13 to %scan3A_15 step %scan3A_16  : i32 {
      %mul3A_27 = arith.constant 1 : i32
      %mul3A_28 = arith.muli %scan3A_26, %mul3A_27 : i32
      %add3A_29 = arith.constant 0 : i32
      %add3A_30 = arith.addi %add3A_29, %mul3A_28 : i32
      %mul3A_31 = arith.constant 8 : i32
      %mul3A_32 = arith.muli %add3A_30, %mul3A_31 : i32
      %add3A_33 = arith.constant 0 : i32
      %add3A_34 = arith.addi %mul3A_32, %add3A_33 : i32
      %dma_start3A = arith.constant 0 : i32
      %dma_start3A_35 = tpu.memref_slice %arg6[%add3A_34, %dma_start3A] : memref<160x128xf32, #tpu.memory_space<vmem>> -> memref<1x128xf32, #tpu.memory_space<vmem>>
      %dma_start3A_36 = tpu.memref_squeeze %dma_start3A_35 : memref<1x128xf32, #tpu.memory_space<vmem>> -> memref<128xf32, #tpu.memory_space<vmem>>
      %dma_start3A_37 = arith.constant 0 : i32
      %dma_start3A_38 = tpu.memref_slice %arg7[%add3A_34, %dma_start3A_37] : memref<160x128xi32, #tpu.memory_space<vmem>> -> memref<1x128xi32, #tpu.memory_space<vmem>>
      %dma_start3A_39 = tpu.memref_squeeze %dma_start3A_38 : memref<1x128xi32, #tpu.memory_space<vmem>> -> memref<128xi32, #tpu.memory_space<vmem>>
      %dma_start3A_40 = arith.constant 0 : i32
      %dma_start3A_41 = tpu.memref_slice %arg11[%dma_start3A_40] : memref<10240xf32, #tpu.memory_space<vmem_shared>> -> memref<10240xf32, #tpu.memory_space<vmem_shared>>
      tpu.enqueue_indirect_dma source(%dma_start3A_36 : memref<128xf32, #tpu.memory_space<vmem>>) target(%dma_start3A_41 : memref<10240xf32, #tpu.memory_space<vmem_shared>>) offsets(%dma_start3A_39 : memref<128xi32, #tpu.memory_space<vmem>>) semaphore(%arg12 : memref<!tpu.dma_semaphore, #tpu.memory_space<semaphore_mem>>) {add = true}
      %mul3A_42 = arith.constant 8 : i32
      %mul3A_43 = arith.muli %add3A_30, %mul3A_42 : i32
      %add3A_44 = arith.constant 1 : i32
      %add3A_45 = arith.addi %mul3A_43, %add3A_44 : i32
      %dma_start3A_46 = arith.constant 0 : i32
      %dma_start3A_47 = tpu.memref_slice %arg6[%add3A_45, %dma_start3A_46] : memref<160x128xf32, #tpu.memory_space<vmem>> -> memref<1x128xf32, #tpu.memory_space<vmem>>
      %dma_start3A_48 = tpu.memref_squeeze %dma_start3A_47 : memref<1x128xf32, #tpu.memory_space<vmem>> -> memref<128xf32, #tpu.memory_space<vmem>>
      %dma_start3A_49 = arith.constant 0 : i32
      %dma_start3A_50 = tpu.memref_slice %arg7[%add3A_45, %dma_start3A_49] : memref<160x128xi32, #tpu.memory_space<vmem>> -> memref<1x128xi32, #tpu.memory_space<vmem>>
      %dma_start3A_51 = tpu.memref_squeeze %dma_start3A_50 : memref<1x128xi32, #tpu.memory_space<vmem>> -> memref<128xi32, #tpu.memory_space<vmem>>
      %dma_start3A_52 = arith.constant 0 : i32
      %dma_start3A_53 = tpu.memref_slice %arg11[%dma_start3A_52] : memref<10240xf32, #tpu.memory_space<vmem_shared>> -> memref<10240xf32, #tpu.memory_space<vmem_shared>>
      tpu.enqueue_indirect_dma source(%dma_start3A_48 : memref<128xf32, #tpu.memory_space<vmem>>) target(%dma_start3A_53 : memref<10240xf32, #tpu.memory_space<vmem_shared>>) offsets(%dma_start3A_51 : memref<128xi32, #tpu.memory_space<vmem>>) semaphore(%arg12 : memref<!tpu.dma_semaphore, #tpu.memory_space<semaphore_mem>>) {add = true}
      %mul3A_54 = arith.constant 8 : i32
      %mul3A_55 = arith.muli %add3A_30, %mul3A_54 : i32
      %add3A_56 = arith.constant 2 : i32
      %add3A_57 = arith.addi %mul3A_55, %add3A_56 : i32
      %dma_start3A_58 = arith.constant 0 : i32
      %dma_start3A_59 = tpu.memref_slice %arg6[%add3A_57, %dma_start3A_58] : memref<160x128xf32, #tpu.memory_space<vmem>> -> memref<1x128xf32, #tpu.memory_space<vmem>>
      %dma_start3A_60 = tpu.memref_squeeze %dma_start3A_59 : memref<1x128xf32, #tpu.memory_space<vmem>> -> memref<128xf32, #tpu.memory_space<vmem>>
      %dma_start3A_61 = arith.constant 0 : i32
      %dma_start3A_62 = tpu.memref_slice %arg7[%add3A_57, %dma_start3A_61] : memref<160x128xi32, #tpu.memory_space<vmem>> -> memref<1x128xi32, #tpu.memory_space<vmem>>
      %dma_start3A_63 = tpu.memref_squeeze %dma_start3A_62 : memref<1x128xi32, #tpu.memory_space<vmem>> -> memref<128xi32, #tpu.memory_space<vmem>>
      %dma_start3A_64 = arith.constant 0 : i32
      %dma_start3A_65 = tpu.memref_slice %arg11[%dma_start3A_64] : memref<10240xf32, #tpu.memory_space<vmem_shared>> -> memref<10240xf32, #tpu.memory_space<vmem_shared>>
      tpu.enqueue_indirect_dma source(%dma_start3A_60 : memref<128xf32, #tpu.memory_space<vmem>>) target(%dma_start3A_65 : memref<10240xf32, #tpu.memory_space<vmem_shared>>) offsets(%dma_start3A_63 : memref<128xi32, #tpu.memory_space<vmem>>) semaphore(%arg12 : memref<!tpu.dma_semaphore, #tpu.memory_space<semaphore_mem>>) {add = true}
      %mul3A_66 = arith.constant 8 : i32
      %mul3A_67 = arith.muli %add3A_30, %mul3A_66 : i32
      %add3A_68 = arith.constant 3 : i32
      %add3A_69 = arith.addi %mul3A_67, %add3A_68 : i32
      %dma_start3A_70 = arith.constant 0 : i32
      %dma_start3A_71 = tpu.memref_slice %arg6[%add3A_69, %dma_start3A_70] : memref<160x128xf32, #tpu.memory_space<vmem>> -> memref<1x128xf32, #tpu.memory_space<vmem>>
      %dma_start3A_72 = tpu.memref_squeeze %dma_start3A_71 : memref<1x128xf32, #tpu.memory_space<vmem>> -> memref<128xf32, #tpu.memory_space<vmem>>
      %dma_start3A_73 = arith.constant 0 : i32
      %dma_start3A_74 = tpu.memref_slice %arg7[%add3A_69, %dma_start3A_73] : memref<160x128xi32, #tpu.memory_space<vmem>> -> memref<1x128xi32, #tpu.memory_space<vmem>>
      %dma_start3A_75 = tpu.memref_squeeze %dma_start3A_74 : memref<1x128xi32, #tpu.memory_space<vmem>> -> memref<128xi32, #tpu.memory_space<vmem>>
      %dma_start3A_76 = arith.constant 0 : i32
      %dma_start3A_77 = tpu.memref_slice %arg11[%dma_start3A_76] : memref<10240xf32, #tpu.memory_space<vmem_shared>> -> memref<10240xf32, #tpu.memory_space<vmem_shared>>
      tpu.enqueue_indirect_dma source(%dma_start3A_72 : memref<128xf32, #tpu.memory_space<vmem>>) target(%dma_start3A_77 : memref<10240xf32, #tpu.memory_space<vmem_shared>>) offsets(%dma_start3A_75 : memref<128xi32, #tpu.memory_space<vmem>>) semaphore(%arg12 : memref<!tpu.dma_semaphore, #tpu.memory_space<semaphore_mem>>) {add = true}
      %mul3A_78 = arith.constant 8 : i32
      %mul3A_79 = arith.muli %add3A_30, %mul3A_78 : i32
      %add3A_80 = arith.constant 4 : i32
      %add3A_81 = arith.addi %mul3A_79, %add3A_80 : i32
      %dma_start3A_82 = arith.constant 0 : i32
      %dma_start3A_83 = tpu.memref_slice %arg6[%add3A_81, %dma_start3A_82] : memref<160x128xf32, #tpu.memory_space<vmem>> -> memref<1x128xf32, #tpu.memory_space<vmem>>
      %dma_start3A_84 = tpu.memref_squeeze %dma_start3A_83 : memref<1x128xf32, #tpu.memory_space<vmem>> -> memref<128xf32, #tpu.memory_space<vmem>>
      %dma_start3A_85 = arith.constant 0 : i32
      %dma_start3A_86 = tpu.memref_slice %arg7[%add3A_81, %dma_start3A_85] : memref<160x128xi32, #tpu.memory_space<vmem>> -> memref<1x128xi32, #tpu.memory_space<vmem>>
      %dma_start3A_87 = tpu.memref_squeeze %dma_start3A_86 : memref<1x128xi32, #tpu.memory_space<vmem>> -> memref<128xi32, #tpu.memory_space<vmem>>
      %dma_start3A_88 = arith.constant 0 : i32
      %dma_start3A_89 = tpu.memref_slice %arg11[%dma_start3A_88] : memref<10240xf32, #tpu.memory_space<vmem_shared>> -> memref<10240xf32, #tpu.memory_space<vmem_shared>>
      tpu.enqueue_indirect_dma source(%dma_start3A_84 : memref<128xf32, #tpu.memory_space<vmem>>) target(%dma_start3A_89 : memref<10240xf32, #tpu.memory_space<vmem_shared>>) offsets(%dma_start3A_87 : memref<128xi32, #tpu.memory_space<vmem>>) semaphore(%arg12 : memref<!tpu.dma_semaphore, #tpu.memory_space<semaphore_mem>>) {add = true}
      %mul3A_90 = arith.constant 8 : i32
      %mul3A_91 = arith.muli %add3A_30, %mul3A_90 : i32
      %add3A_92 = arith.constant 5 : i32
      %add3A_93 = arith.addi %mul3A_91, %add3A_92 : i32
      %dma_start3A_94 = arith.constant 0 : i32
      %dma_start3A_95 = tpu.memref_slice %arg6[%add3A_93, %dma_start3A_94] : memref<160x128xf32, #tpu.memory_space<vmem>> -> memref<1x128xf32, #tpu.memory_space<vmem>>
      %dma_start3A_96 = tpu.memref_squeeze %dma_start3A_95 : memref<1x128xf32, #tpu.memory_space<vmem>> -> memref<128xf32, #tpu.memory_space<vmem>>
      %dma_start3A_97 = arith.constant 0 : i32
      %dma_start3A_98 = tpu.memref_slice %arg7[%add3A_93, %dma_start3A_97] : memref<160x128xi32, #tpu.memory_space<vmem>> -> memref<1x128xi32, #tpu.memory_space<vmem>>
      %dma_start3A_99 = tpu.memref_squeeze %dma_start3A_98 : memref<1x128xi32, #tpu.memory_space<vmem>> -> memref<128xi32, #tpu.memory_space<vmem>>
      %dma_start3A_100 = arith.constant 0 : i32
      %dma_start3A_101 = tpu.memref_slice %arg11[%dma_start3A_100] : memref<10240xf32, #tpu.memory_space<vmem_shared>> -> memref<10240xf32, #tpu.memory_space<vmem_shared>>
      tpu.enqueue_indirect_dma source(%dma_start3A_96 : memref<128xf32, #tpu.memory_space<vmem>>) target(%dma_start3A_101 : memref<10240xf32, #tpu.memory_space<vmem_shared>>) offsets(%dma_start3A_99 : memref<128xi32, #tpu.memory_space<vmem>>) semaphore(%arg12 : memref<!tpu.dma_semaphore, #tpu.memory_space<semaphore_mem>>) {add = true}
      %mul3A_102 = arith.constant 8 : i32
      %mul3A_103 = arith.muli %add3A_30, %mul3A_102 : i32
      %add3A_104 = arith.constant 6 : i32
      %add3A_105 = arith.addi %mul3A_103, %add3A_104 : i32
      %dma_start3A_106 = arith.constant 0 : i32
      %dma_start3A_107 = tpu.memref_slice %arg6[%add3A_105, %dma_start3A_106] : memref<160x128xf32, #tpu.memory_space<vmem>> -> memref<1x128xf32, #tpu.memory_space<vmem>>
      %dma_start3A_108 = tpu.memref_squeeze %dma_start3A_107 : memref<1x128xf32, #tpu.memory_space<vmem>> -> memref<128xf32, #tpu.memory_space<vmem>>
      %dma_start3A_109 = arith.constant 0 : i32
      %dma_start3A_110 = tpu.memref_slice %arg7[%add3A_105, %dma_start3A_109] : memref<160x128xi32, #tpu.memory_space<vmem>> -> memref<1x128xi32, #tpu.memory_space<vmem>>
      %dma_start3A_111 = tpu.memref_squeeze %dma_start3A_110 : memref<1x128xi32, #tpu.memory_space<vmem>> -> memref<128xi32, #tpu.memory_space<vmem>>
      %dma_start3A_112 = arith.constant 0 : i32
      %dma_start3A_113 = tpu.memref_slice %arg11[%dma_start3A_112] : memref<10240xf32, #tpu.memory_space<vmem_shared>> -> memref<10240xf32, #tpu.memory_space<vmem_shared>>
      tpu.enqueue_indirect_dma source(%dma_start3A_108 : memref<128xf32, #tpu.memory_space<vmem>>) target(%dma_start3A_113 : memref<10240xf32, #tpu.memory_space<vmem_shared>>) offsets(%dma_start3A_111 : memref<128xi32, #tpu.memory_space<vmem>>) semaphore(%arg12 : memref<!tpu.dma_semaphore, #tpu.memory_space<semaphore_mem>>) {add = true}
      %mul3A_114 = arith.constant 8 : i32
      %mul3A_115 = arith.muli %add3A_30, %mul3A_114 : i32
      %add3A_116 = arith.constant 7 : i32
      %add3A_117 = arith.addi %mul3A_115, %add3A_116 : i32
      %dma_start3A_118 = arith.constant 0 : i32
      %dma_start3A_119 = tpu.memref_slice %arg6[%add3A_117, %dma_start3A_118] : memref<160x128xf32, #tpu.memory_space<vmem>> -> memref<1x128xf32, #tpu.memory_space<vmem>>
      %dma_start3A_120 = tpu.memref_squeeze %dma_start3A_119 : memref<1x128xf32, #tpu.memory_space<vmem>> -> memref<128xf32, #tpu.memory_space<vmem>>
      %dma_start3A_121 = arith.constant 0 : i32
      %dma_start3A_122 = tpu.memref_slice %arg7[%add3A_117, %dma_start3A_121] : memref<160x128xi32, #tpu.memory_space<vmem>> -> memref<1x128xi32, #tpu.memory_space<vmem>>
      %dma_start3A_123 = tpu.memref_squeeze %dma_start3A_122 : memref<1x128xi32, #tpu.memory_space<vmem>> -> memref<128xi32, #tpu.memory_space<vmem>>
      %dma_start3A_124 = arith.constant 0 : i32
      %dma_start3A_125 = tpu.memref_slice %arg11[%dma_start3A_124] : memref<10240xf32, #tpu.memory_space<vmem_shared>> -> memref<10240xf32, #tpu.memory_space<vmem_shared>>
      tpu.enqueue_indirect_dma source(%dma_start3A_120 : memref<128xf32, #tpu.memory_space<vmem>>) target(%dma_start3A_125 : memref<10240xf32, #tpu.memory_space<vmem_shared>>) offsets(%dma_start3A_123 : memref<128xi32, #tpu.memory_space<vmem>>) semaphore(%arg12 : memref<!tpu.dma_semaphore, #tpu.memory_space<semaphore_mem>>) {add = true}
      %dma_wait3A = arith.constant 0 : i32
      %dma_wait3A_126 = tpu.memref_slice %arg6[%add3A_34, %dma_wait3A] : memref<160x128xf32, #tpu.memory_space<vmem>> -> memref<1x128xf32, #tpu.memory_space<vmem>>
      %dma_wait3A_127 = tpu.memref_squeeze %dma_wait3A_126 : memref<1x128xf32, #tpu.memory_space<vmem>> -> memref<128xf32, #tpu.memory_space<vmem>>
      %dma_wait3A_128 = arith.constant 0 : i32
      %dma_wait3A_129 = tpu.memref_slice %arg7[%add3A_34, %dma_wait3A_128] : memref<160x128xi32, #tpu.memory_space<vmem>> -> memref<1x128xi32, #tpu.memory_space<vmem>>
      %dma_wait3A_130 = tpu.memref_squeeze %dma_wait3A_129 : memref<1x128xi32, #tpu.memory_space<vmem>> -> memref<128xi32, #tpu.memory_space<vmem>>
      %dma_wait3A_131 = arith.constant 0 : i32
      %dma_wait3A_132 = tpu.memref_slice %arg11[%dma_wait3A_131] : memref<10240xf32, #tpu.memory_space<vmem_shared>> -> memref<10240xf32, #tpu.memory_space<vmem_shared>>
      tpu.wait_indirect_dma semaphore(%arg12 : memref<!tpu.dma_semaphore, #tpu.memory_space<semaphore_mem>>) src(%dma_wait3A_127 : memref<128xf32, #tpu.memory_space<vmem>>) dst(%dma_wait3A_132 : memref<10240xf32, #tpu.memory_space<vmem_shared>>)
      %dma_wait3A_133 = arith.constant 0 : i32
      %dma_wait3A_134 = tpu.memref_slice %arg6[%add3A_45, %dma_wait3A_133] : memref<160x128xf32, #tpu.memory_space<vmem>> -> memref<1x128xf32, #tpu.memory_space<vmem>>
      %dma_wait3A_135 = tpu.memref_squeeze %dma_wait3A_134 : memref<1x128xf32, #tpu.memory_space<vmem>> -> memref<128xf32, #tpu.memory_space<vmem>>
      %dma_wait3A_136 = arith.constant 0 : i32
      %dma_wait3A_137 = tpu.memref_slice %arg7[%add3A_45, %dma_wait3A_136] : memref<160x128xi32, #tpu.memory_space<vmem>> -> memref<1x128xi32, #tpu.memory_space<vmem>>
      %dma_wait3A_138 = tpu.memref_squeeze %dma_wait3A_137 : memref<1x128xi32, #tpu.memory_space<vmem>> -> memref<128xi32, #tpu.memory_space<vmem>>
      %dma_wait3A_139 = arith.constant 0 : i32
      %dma_wait3A_140 = tpu.memref_slice %arg11[%dma_wait3A_139] : memref<10240xf32, #tpu.memory_space<vmem_shared>> -> memref<10240xf32, #tpu.memory_space<vmem_shared>>
      tpu.wait_indirect_dma semaphore(%arg12 : memref<!tpu.dma_semaphore, #tpu.memory_space<semaphore_mem>>) src(%dma_wait3A_135 : memref<128xf32, #tpu.memory_space<vmem>>) dst(%dma_wait3A_140 : memref<10240xf32, #tpu.memory_space<vmem_shared>>)
      %dma_wait3A_141 = arith.constant 0 : i32
      %dma_wait3A_142 = tpu.memref_slice %arg6[%add3A_57, %dma_wait3A_141] : memref<160x128xf32, #tpu.memory_space<vmem>> -> memref<1x128xf32, #tpu.memory_space<vmem>>
      %dma_wait3A_143 = tpu.memref_squeeze %dma_wait3A_142 : memref<1x128xf32, #tpu.memory_space<vmem>> -> memref<128xf32, #tpu.memory_space<vmem>>
      %dma_wait3A_144 = arith.constant 0 : i32
      %dma_wait3A_145 = tpu.memref_slice %arg7[%add3A_57, %dma_wait3A_144] : memref<160x128xi32, #tpu.memory_space<vmem>> -> memref<1x128xi32, #tpu.memory_space<vmem>>
      %dma_wait3A_146 = tpu.memref_squeeze %dma_wait3A_145 : memref<1x128xi32, #tpu.memory_space<vmem>> -> memref<128xi32, #tpu.memory_space<vmem>>
      %dma_wait3A_147 = arith.constant 0 : i32
      %dma_wait3A_148 = tpu.memref_slice %arg11[%dma_wait3A_147] : memref<10240xf32, #tpu.memory_space<vmem_shared>> -> memref<10240xf32, #tpu.memory_space<vmem_shared>>
      tpu.wait_indirect_dma semaphore(%arg12 : memref<!tpu.dma_semaphore, #tpu.memory_space<semaphore_mem>>) src(%dma_wait3A_143 : memref<128xf32, #tpu.memory_space<vmem>>) dst(%dma_wait3A_148 : memref<10240xf32, #tpu.memory_space<vmem_shared>>)
      %dma_wait3A_149 = arith.constant 0 : i32
      %dma_wait3A_150 = tpu.memref_slice %arg6[%add3A_69, %dma_wait3A_149] : memref<160x128xf32, #tpu.memory_space<vmem>> -> memref<1x128xf32, #tpu.memory_space<vmem>>
      %dma_wait3A_151 = tpu.memref_squeeze %dma_wait3A_150 : memref<1x128xf32, #tpu.memory_space<vmem>> -> memref<128xf32, #tpu.memory_space<vmem>>
      %dma_wait3A_152 = arith.constant 0 : i32
      %dma_wait3A_153 = tpu.memref_slice %arg7[%add3A_69, %dma_wait3A_152] : memref<160x128xi32, #tpu.memory_space<vmem>> -> memref<1x128xi32, #tpu.memory_space<vmem>>
      %dma_wait3A_154 = tpu.memref_squeeze %dma_wait3A_153 : memref<1x128xi32, #tpu.memory_space<vmem>> -> memref<128xi32, #tpu.memory_space<vmem>>
      %dma_wait3A_155 = arith.constant 0 : i32
      %dma_wait3A_156 = tpu.memref_slice %arg11[%dma_wait3A_155] : memref<10240xf32, #tpu.memory_space<vmem_shared>> -> memref<10240xf32, #tpu.memory_space<vmem_shared>>
      tpu.wait_indirect_dma semaphore(%arg12 : memref<!tpu.dma_semaphore, #tpu.memory_space<semaphore_mem>>) src(%dma_wait3A_151 : memref<128xf32, #tpu.memory_space<vmem>>) dst(%dma_wait3A_156 : memref<10240xf32, #tpu.memory_space<vmem_shared>>)
      %dma_wait3A_157 = arith.constant 0 : i32
      %dma_wait3A_158 = tpu.memref_slice %arg6[%add3A_81, %dma_wait3A_157] : memref<160x128xf32, #tpu.memory_space<vmem>> -> memref<1x128xf32, #tpu.memory_space<vmem>>
      %dma_wait3A_159 = tpu.memref_squeeze %dma_wait3A_158 : memref<1x128xf32, #tpu.memory_space<vmem>> -> memref<128xf32, #tpu.memory_space<vmem>>
      %dma_wait3A_160 = arith.constant 0 : i32
      %dma_wait3A_161 = tpu.memref_slice %arg7[%add3A_81, %dma_wait3A_160] : memref<160x128xi32, #tpu.memory_space<vmem>> -> memref<1x128xi32, #tpu.memory_space<vmem>>
      %dma_wait3A_162 = tpu.memref_squeeze %dma_wait3A_161 : memref<1x128xi32, #tpu.memory_space<vmem>> -> memref<128xi32, #tpu.memory_space<vmem>>
      %dma_wait3A_163 = arith.constant 0 : i32
      %dma_wait3A_164 = tpu.memref_slice %arg11[%dma_wait3A_163] : memref<10240xf32, #tpu.memory_space<vmem_shared>> -> memref<10240xf32, #tpu.memory_space<vmem_shared>>
      tpu.wait_indirect_dma semaphore(%arg12 : memref<!tpu.dma_semaphore, #tpu.memory_space<semaphore_mem>>) src(%dma_wait3A_159 : memref<128xf32, #tpu.memory_space<vmem>>) dst(%dma_wait3A_164 : memref<10240xf32, #tpu.memory_space<vmem_shared>>)
      %dma_wait3A_165 = arith.constant 0 : i32
      %dma_wait3A_166 = tpu.memref_slice %arg6[%add3A_93, %dma_wait3A_165] : memref<160x128xf32, #tpu.memory_space<vmem>> -> memref<1x128xf32, #tpu.memory_space<vmem>>
      %dma_wait3A_167 = tpu.memref_squeeze %dma_wait3A_166 : memref<1x128xf32, #tpu.memory_space<vmem>> -> memref<128xf32, #tpu.memory_space<vmem>>
      %dma_wait3A_168 = arith.constant 0 : i32
      %dma_wait3A_169 = tpu.memref_slice %arg7[%add3A_93, %dma_wait3A_168] : memref<160x128xi32, #tpu.memory_space<vmem>> -> memref<1x128xi32, #tpu.memory_space<vmem>>
      %dma_wait3A_170 = tpu.memref_squeeze %dma_wait3A_169 : memref<1x128xi32, #tpu.memory_space<vmem>> -> memref<128xi32, #tpu.memory_space<vmem>>
      %dma_wait3A_171 = arith.constant 0 : i32
      %dma_wait3A_172 = tpu.memref_slice %arg11[%dma_wait3A_171] : memref<10240xf32, #tpu.memory_space<vmem_shared>> -> memref<10240xf32, #tpu.memory_space<vmem_shared>>
      tpu.wait_indirect_dma semaphore(%arg12 : memref<!tpu.dma_semaphore, #tpu.memory_space<semaphore_mem>>) src(%dma_wait3A_167 : memref<128xf32, #tpu.memory_space<vmem>>) dst(%dma_wait3A_172 : memref<10240xf32, #tpu.memory_space<vmem_shared>>)
      %dma_wait3A_173 = arith.constant 0 : i32
      %dma_wait3A_174 = tpu.memref_slice %arg6[%add3A_105, %dma_wait3A_173] : memref<160x128xf32, #tpu.memory_space<vmem>> -> memref<1x128xf32, #tpu.memory_space<vmem>>
      %dma_wait3A_175 = tpu.memref_squeeze %dma_wait3A_174 : memref<1x128xf32, #tpu.memory_space<vmem>> -> memref<128xf32, #tpu.memory_space<vmem>>
      %dma_wait3A_176 = arith.constant 0 : i32
      %dma_wait3A_177 = tpu.memref_slice %arg7[%add3A_105, %dma_wait3A_176] : memref<160x128xi32, #tpu.memory_space<vmem>> -> memref<1x128xi32, #tpu.memory_space<vmem>>
      %dma_wait3A_178 = tpu.memref_squeeze %dma_wait3A_177 : memref<1x128xi32, #tpu.memory_space<vmem>> -> memref<128xi32, #tpu.memory_space<vmem>>
      %dma_wait3A_179 = arith.constant 0 : i32
      %dma_wait3A_180 = tpu.memref_slice %arg11[%dma_wait3A_179] : memref<10240xf32, #tpu.memory_space<vmem_shared>> -> memref<10240xf32, #tpu.memory_space<vmem_shared>>
      tpu.wait_indirect_dma semaphore(%arg12 : memref<!tpu.dma_semaphore, #tpu.memory_space<semaphore_mem>>) src(%dma_wait3A_175 : memref<128xf32, #tpu.memory_space<vmem>>) dst(%dma_wait3A_180 : memref<10240xf32, #tpu.memory_space<vmem_shared>>)
      %dma_wait3A_181 = arith.constant 0 : i32
      %dma_wait3A_182 = tpu.memref_slice %arg6[%add3A_117, %dma_wait3A_181] : memref<160x128xf32, #tpu.memory_space<vmem>> -> memref<1x128xf32, #tpu.memory_space<vmem>>
      %dma_wait3A_183 = tpu.memref_squeeze %dma_wait3A_182 : memref<1x128xf32, #tpu.memory_space<vmem>> -> memref<128xf32, #tpu.memory_space<vmem>>
      %dma_wait3A_184 = arith.constant 0 : i32
      %dma_wait3A_185 = tpu.memref_slice %arg7[%add3A_117, %dma_wait3A_184] : memref<160x128xi32, #tpu.memory_space<vmem>> -> memref<1x128xi32, #tpu.memory_space<vmem>>
      %dma_wait3A_186 = tpu.memref_squeeze %dma_wait3A_185 : memref<1x128xi32, #tpu.memory_space<vmem>> -> memref<128xi32, #tpu.memory_space<vmem>>
      %dma_wait3A_187 = arith.constant 0 : i32
      %dma_wait3A_188 = tpu.memref_slice %arg11[%dma_wait3A_187] : memref<10240xf32, #tpu.memory_space<vmem_shared>> -> memref<10240xf32, #tpu.memory_space<vmem_shared>>
      tpu.wait_indirect_dma semaphore(%arg12 : memref<!tpu.dma_semaphore, #tpu.memory_space<semaphore_mem>>) src(%dma_wait3A_183 : memref<128xf32, #tpu.memory_space<vmem>>) dst(%dma_wait3A_188 : memref<10240xf32, #tpu.memory_space<vmem_shared>>)
    }
    %scan3A_17 = arith.constant 20 : i32
    %barrier3A_18 = arith.constant 0 : index
    tpu.barrier barrier_id(%barrier3A_18)
    "tpu.region"() ({
      %run_scoped3A = tpu.sem_alloc : memref<!tpu.dma_semaphore, #tpu.memory_space<semaphore_mem>>
      tpu.enqueue_dma source(%arg11 : memref<10240xf32, #tpu.memory_space<vmem_shared>>) target(%arg9 : memref<10240xf32, #tpu.memory_space<vmem>>) target_semaphore(%run_scoped3A : memref<!tpu.dma_semaphore, #tpu.memory_space<semaphore_mem>>)
      tpu.wait_dma2 semaphore(%run_scoped3A : memref<!tpu.dma_semaphore, #tpu.memory_space<semaphore_mem>>) src(%arg11 : memref<10240xf32, #tpu.memory_space<vmem_shared>>) dst(%arg9 : memref<10240xf32, #tpu.memory_space<vmem>>)
      tpu.yield
    }) : () -> ()
    %mul3A_19 = arith.constant 80 : i32
    %mul3A_20 = arith.muli %mul3A_19, %arg0 : i32
    %scan3A_21 = arith.constant 0 : i32
    %scan3A_22 = arith.constant 80 : i32
    %scan3A_23 = arith.addi %scan3A_21, %scan3A_22 : i32
    %scan3A_24 = arith.constant 1 : i32
    scf.for %scan3A_26 = %scan3A_21 to %scan3A_23 step %scan3A_24  : i32 {
      %mul3A_27 = arith.constant 1 : i32
      %mul3A_28 = arith.muli %scan3A_26, %mul3A_27 : i32
      %add3A_29 = arith.constant 0 : i32
      %add3A_30 = arith.addi %add3A_29, %mul3A_28 : i32
      %add3A_31 = arith.addi %mul3A_20, %add3A_30 : i32
      %get3A_32 = arith.index_cast %add3A_31 : i32 to index
      %get3A_33 = arith.constant 0 : index
      %get3A_34 = tpu.vector_load %arg7[%get3A_32, %get3A_33] {strides = array<i32>} : memref<160x128xi32, #tpu.memory_space<vmem>>, vector<16xi32>,
      %gather3A = tpu.vector_load_idx %arg9[%get3A_34] : memref<10240xf32, #tpu.memory_space<vmem>>[vector<16xi32>], vector<16xf32>,
      %get3A_35 = arith.index_cast %add3A_31 : i32 to index
      %get3A_36 = arith.constant 0 : index
      %get3A_37 = tpu.vector_load %arg6[%get3A_35, %get3A_36] {strides = array<i32>} : memref<160x128xf32, #tpu.memory_space<vmem>>, vector<16xf32>,
      %div3A = arith.divf %get3A_37, %gather3A : vector<16xf32>
      %swap3A = arith.index_cast %add3A_31 : i32 to index
      %swap3A_38 = arith.constant 0 : index
      %swap3A_39 = tpu.vector_load %arg6[%swap3A, %swap3A_38] {strides = array<i32>} : memref<160x128xf32, #tpu.memory_space<vmem>>, vector<16xf32>,
      tpu.vector_store %arg6[%swap3A, %swap3A_38], %div3A {strides = array<i32>} : memref<160x128xf32, #tpu.memory_space<vmem>>, vector<16xf32>,
      %get3A_40 = arith.index_cast %add3A_31 : i32 to index
      %get3A_41 = arith.constant 16 : index
      %get3A_42 = tpu.vector_load %arg7[%get3A_40, %get3A_41] {strides = array<i32>} : memref<160x128xi32, #tpu.memory_space<vmem>>, vector<16xi32>,
      %gather3A_43 = tpu.vector_load_idx %arg9[%get3A_42] : memref<10240xf32, #tpu.memory_space<vmem>>[vector<16xi32>], vector<16xf32>,
      %get3A_44 = arith.index_cast %add3A_31 : i32 to index
      %get3A_45 = arith.constant 16 : index
      %get3A_46 = tpu.vector_load %arg6[%get3A_44, %get3A_45] {strides = array<i32>} : memref<160x128xf32, #tpu.memory_space<vmem>>, vector<16xf32>,
      %div3A_47 = arith.divf %get3A_46, %gather3A_43 : vector<16xf32>
      %swap3A_48 = arith.index_cast %add3A_31 : i32 to index
      %swap3A_49 = arith.constant 16 : index
      %swap3A_50 = tpu.vector_load %arg6[%swap3A_48, %swap3A_49] {strides = array<i32>} : memref<160x128xf32, #tpu.memory_space<vmem>>, vector<16xf32>,
      tpu.vector_store %arg6[%swap3A_48, %swap3A_49], %div3A_47 {strides = array<i32>} : memref<160x128xf32, #tpu.memory_space<vmem>>, vector<16xf32>,
      %get3A_51 = arith.index_cast %add3A_31 : i32 to index
      %get3A_52 = arith.constant 32 : index
      %get3A_53 = tpu.vector_load %arg7[%get3A_51, %get3A_52] {strides = array<i32>} : memref<160x128xi32, #tpu.memory_space<vmem>>, vector<16xi32>,
      %gather3A_54 = tpu.vector_load_idx %arg9[%get3A_53] : memref<10240xf32, #tpu.memory_space<vmem>>[vector<16xi32>], vector<16xf32>,
      %get3A_55 = arith.index_cast %add3A_31 : i32 to index
      %get3A_56 = arith.constant 32 : index
      %get3A_57 = tpu.vector_load %arg6[%get3A_55, %get3A_56] {strides = array<i32>} : memref<160x128xf32, #tpu.memory_space<vmem>>, vector<16xf32>,
      %div3A_58 = arith.divf %get3A_57, %gather3A_54 : vector<16xf32>
      %swap3A_59 = arith.index_cast %add3A_31 : i32 to index
      %swap3A_60 = arith.constant 32 : index
      %swap3A_61 = tpu.vector_load %arg6[%swap3A_59, %swap3A_60] {strides = array<i32>} : memref<160x128xf32, #tpu.memory_space<vmem>>, vector<16xf32>,
      tpu.vector_store %arg6[%swap3A_59, %swap3A_60], %div3A_58 {strides = array<i32>} : memref<160x128xf32, #tpu.memory_space<vmem>>, vector<16xf32>,
      %get3A_62 = arith.index_cast %add3A_31 : i32 to index
      %get3A_63 = arith.constant 48 : index
      %get3A_64 = tpu.vector_load %arg7[%get3A_62, %get3A_63] {strides = array<i32>} : memref<160x128xi32, #tpu.memory_space<vmem>>, vector<16xi32>,
      %gather3A_65 = tpu.vector_load_idx %arg9[%get3A_64] : memref<10240xf32, #tpu.memory_space<vmem>>[vector<16xi32>], vector<16xf32>,
      %get3A_66 = arith.index_cast %add3A_31 : i32 to index
      %get3A_67 = arith.constant 48 : index
      %get3A_68 = tpu.vector_load %arg6[%get3A_66, %get3A_67] {strides = array<i32>} : memref<160x128xf32, #tpu.memory_space<vmem>>, vector<16xf32>,
      %div3A_69 = arith.divf %get3A_68, %gather3A_65 : vector<16xf32>
      %swap3A_70 = arith.index_cast %add3A_31 : i32 to index
      %swap3A_71 = arith.constant 48 : index
      %swap3A_72 = tpu.vector_load %arg6[%swap3A_70, %swap3A_71] {strides = array<i32>} : memref<160x128xf32, #tpu.memory_space<vmem>>, vector<16xf32>,
      tpu.vector_store %arg6[%swap3A_70, %swap3A_71], %div3A_69 {strides = array<i32>} : memref<160x128xf32, #tpu.memory_space<vmem>>, vector<16xf32>,
      %get3A_73 = arith.index_cast %add3A_31 : i32 to index
      %get3A_74 = arith.constant 64 : index
      %get3A_75 = tpu.vector_load %arg7[%get3A_73, %get3A_74] {strides = array<i32>} : memref<160x128xi32, #tpu.memory_space<vmem>>, vector<16xi32>,
      %gather3A_76 = tpu.vector_load_idx %arg9[%get3A_75] : memref<10240xf32, #tpu.memory_space<vmem>>[vector<16xi32>], vector<16xf32>,
      %get3A_77 = arith.index_cast %add3A_31 : i32 to index
      %get3A_78 = arith.constant 64 : index
      %get3A_79 = tpu.vector_load %arg6[%get3A_77, %get3A_78] {strides = array<i32>} : memref<160x128xf32, #tpu.memory_space<vmem>>, vector<16xf32>,
      %div3A_80 = arith.divf %get3A_79, %gather3A_76 : vector<16xf32>
      %swap3A_81 = arith.index_cast %add3A_31 : i32 to index
      %swap3A_82 = arith.constant 64 : index
      %swap3A_83 = tpu.vector_load %arg6[%swap3A_81, %swap3A_82] {strides = array<i32>} : memref<160x128xf32, #tpu.memory_space<vmem>>, vector<16xf32>,
      tpu.vector_store %arg6[%swap3A_81, %swap3A_82], %div3A_80 {strides = array<i32>} : memref<160x128xf32, #tpu.memory_space<vmem>>, vector<16xf32>,
      %get3A_84 = arith.index_cast %add3A_31 : i32 to index
      %get3A_85 = arith.constant 80 : index
      %get3A_86 = tpu.vector_load %arg7[%get3A_84, %get3A_85] {strides = array<i32>} : memref<160x128xi32, #tpu.memory_space<vmem>>, vector<16xi32>,
      %gather3A_87 = tpu.vector_load_idx %arg9[%get3A_86] : memref<10240xf32, #tpu.memory_space<vmem>>[vector<16xi32>], vector<16xf32>,
      %get3A_88 = arith.index_cast %add3A_31 : i32 to index
      %get3A_89 = arith.constant 80 : index
      %get3A_90 = tpu.vector_load %arg6[%get3A_88, %get3A_89] {strides = array<i32>} : memref<160x128xf32, #tpu.memory_space<vmem>>, vector<16xf32>,
      %div3A_91 = arith.divf %get3A_90, %gather3A_87 : vector<16xf32>
      %swap3A_92 = arith.index_cast %add3A_31 : i32 to index
      %swap3A_93 = arith.constant 80 : index
      %swap3A_94 = tpu.vector_load %arg6[%swap3A_92, %swap3A_93] {strides = array<i32>} : memref<160x128xf32, #tpu.memory_space<vmem>>, vector<16xf32>,
      tpu.vector_store %arg6[%swap3A_92, %swap3A_93], %div3A_91 {strides = array<i32>} : memref<160x128xf32, #tpu.memory_space<vmem>>, vector<16xf32>,
      %get3A_95 = arith.index_cast %add3A_31 : i32 to index
      %get3A_96 = arith.constant 96 : index
      %get3A_97 = tpu.vector_load %arg7[%get3A_95, %get3A_96] {strides = array<i32>} : memref<160x128xi32, #tpu.memory_space<vmem>>, vector<16xi32>,
      %gather3A_98 = tpu.vector_load_idx %arg9[%get3A_97] : memref<10240xf32, #tpu.memory_space<vmem>>[vector<16xi32>], vector<16xf32>,
      %get3A_99 = arith.index_cast %add3A_31 : i32 to index
      %get3A_100 = arith.constant 96 : index
      %get3A_101 = tpu.vector_load %arg6[%get3A_99, %get3A_100] {strides = array<i32>} : memref<160x128xf32, #tpu.memory_space<vmem>>, vector<16xf32>,
      %div3A_102 = arith.divf %get3A_101, %gather3A_98 : vector<16xf32>
      %swap3A_103 = arith.index_cast %add3A_31 : i32 to index
      %swap3A_104 = arith.constant 96 : index
      %swap3A_105 = tpu.vector_load %arg6[%swap3A_103, %swap3A_104] {strides = array<i32>} : memref<160x128xf32, #tpu.memory_space<vmem>>, vector<16xf32>,
      tpu.vector_store %arg6[%swap3A_103, %swap3A_104], %div3A_102 {strides = array<i32>} : memref<160x128xf32, #tpu.memory_space<vmem>>, vector<16xf32>,
      %get3A_106 = arith.index_cast %add3A_31 : i32 to index
      %get3A_107 = arith.constant 112 : index
      %get3A_108 = tpu.vector_load %arg7[%get3A_106, %get3A_107] {strides = array<i32>} : memref<160x128xi32, #tpu.memory_space<vmem>>, vector<16xi32>,
      %gather3A_109 = tpu.vector_load_idx %arg9[%get3A_108] : memref<10240xf32, #tpu.memory_space<vmem>>[vector<16xi32>], vector<16xf32>,
      %get3A_110 = arith.index_cast %add3A_31 : i32 to index
      %get3A_111 = arith.constant 112 : index
      %get3A_112 = tpu.vector_load %arg6[%get3A_110, %get3A_111] {strides = array<i32>} : memref<160x128xf32, #tpu.memory_space<vmem>>, vector<16xf32>,
      %div3A_113 = arith.divf %get3A_112, %gather3A_109 : vector<16xf32>
      %swap3A_114 = arith.index_cast %add3A_31 : i32 to index
      %swap3A_115 = arith.constant 112 : index
      %swap3A_116 = tpu.vector_load %arg6[%swap3A_114, %swap3A_115] {strides = array<i32>} : memref<160x128xf32, #tpu.memory_space<vmem>>, vector<16xf32>,
      tpu.vector_store %arg6[%swap3A_114, %swap3A_115], %div3A_113 {strides = array<i32>} : memref<160x128xf32, #tpu.memory_space<vmem>>, vector<16xf32>,
    }
    %scan3A_25 = arith.constant 80 : i32
    %add3A = arith.addi %mul3A_0, %mul3A_20 : i32
    "tpu.region"() ({
      %run_scoped3A = tpu.sem_alloc : memref<!tpu.dma_semaphore, #tpu.memory_space<semaphore_mem>>
      %dma_start3A = arith.constant 0 : i32
      %dma_start3A_26 = tpu.memref_slice %arg6[%mul3A_20, %dma_start3A] : memref<160x128xf32, #tpu.memory_space<vmem>> -> memref<80x128xf32, #tpu.memory_space<vmem>>
      %dma_start3A_27 = arith.constant 0 : i32
      %dma_start3A_28 = tpu.memref_slice %arg5[%add3A, %dma_start3A_27] : memref<2560x128xf32, #tpu.memory_space<hbm>> -> memref<80x128xf32, #tpu.memory_space<hbm>>
      %dma_start3A_29 = arith.constant 0 : i32
      %dma_start3A_30 = tpu.memref_slice %arg5[%add3A, %dma_start3A_29] : memref<2560x128xf32, #tpu.memory_space<hbm>> -> memref<80x128xf32, #tpu.memory_space<hbm>>
      %dma_start3A_31 = arith.constant 0 : i32
      %dma_start3A_32 = tpu.memref_slice %arg6[%mul3A_20, %dma_start3A_31] : memref<160x128xf32, #tpu.memory_space<vmem>> -> memref<80x128xf32, #tpu.memory_space<vmem>>
      tpu.enqueue_dma source(%dma_start3A_32 : memref<80x128xf32, #tpu.memory_space<vmem>>) target(%dma_start3A_30 : memref<80x128xf32, #tpu.memory_space<hbm>>) target_semaphore(%run_scoped3A : memref<!tpu.dma_semaphore, #tpu.memory_space<semaphore_mem>>)
      %dma_wait3A = arith.constant 0 : i32
      %dma_wait3A_33 = tpu.memref_slice %arg6[%mul3A_20, %dma_wait3A] : memref<160x128xf32, #tpu.memory_space<vmem>> -> memref<80x128xf32, #tpu.memory_space<vmem>>
      %dma_wait3A_34 = arith.constant 0 : i32
      %dma_wait3A_35 = tpu.memref_slice %arg5[%add3A, %dma_wait3A_34] : memref<2560x128xf32, #tpu.memory_space<hbm>> -> memref<80x128xf32, #tpu.memory_space<hbm>>
      %dma_wait3A_36 = arith.constant 0 : i32
      %dma_wait3A_37 = tpu.memref_slice %arg5[%add3A, %dma_wait3A_36] : memref<2560x128xf32, #tpu.memory_space<hbm>> -> memref<80x128xf32, #tpu.memory_space<hbm>>
      %dma_wait3A_38 = arith.constant 0 : i32
      %dma_wait3A_39 = tpu.memref_slice %arg6[%mul3A_20, %dma_wait3A_38] : memref<160x128xf32, #tpu.memory_space<vmem>> -> memref<80x128xf32, #tpu.memory_space<vmem>>
      tpu.wait_dma2 semaphore(%run_scoped3A : memref<!tpu.dma_semaphore, #tpu.memory_space<semaphore_mem>>) src(%dma_wait3A_39 : memref<80x128xf32, #tpu.memory_space<vmem>>) dst(%dma_wait3A_37 : memref<80x128xf32, #tpu.memory_space<hbm>>)
      tpu.yield
    }) : () -> ()
    return
  }
}

module attributes {stable_mosaic.version = 14 : i64} {
  func.func @_att_tc_body(%arg0: i32, %arg1: memref<3200x128xf32, #tpu.memory_space<vmem>>, %arg2: memref<128x64xf32, #tpu.memory_space<vmem>>, %arg3: memref<1x64xf32, #tpu.memory_space<vmem>>, %arg4: memref<3200x1xf32, #tpu.memory_space<vmem>>, %arg5: memref<8x128xf32, #tpu.memory_space<vmem>>) attributes {dimension_semantics = [#tpu.dimension_semantics<arbitrary>], iteration_bounds = array<i64: 100>, scalar_prefetch = 0 : i64, scratch_operands = 0 : i64, tpu.core_type = #tpu.core_type<tc>, window_params = [{transform_indices = @transform_0, window_bounds = array<i64: 3200, 128>}, {pipeline_mode = #tpu.pipeline_mode<synchronous>, transform_indices = @transform_1, window_bounds = array<i64: 128, 64>}, {pipeline_mode = #tpu.pipeline_mode<synchronous>, transform_indices = @transform_2, window_bounds = array<i64: 1, 64>}, {transform_indices = @transform_3, window_bounds = array<i64: 3200, 1>}, {pipeline_mode = #tpu.pipeline_mode<synchronous>, transform_indices = @transform_4, window_bounds = array<i64: 8, 128>}]} {
    %get3A = arith.constant 0 : index
    %get3A_0 = arith.constant 0 : index
    %get3A_1 = vector.load %arg1[%get3A, %get3A_0] : memref<3200x128xf32, #tpu.memory_space<vmem>>, vector<3200x128xf32>
    %get3A_2 = arith.constant 0 : index
    %get3A_3 = arith.constant 0 : index
    %get3A_4 = vector.load %arg2[%get3A_2, %get3A_3] : memref<128x64xf32, #tpu.memory_space<vmem>>, vector<128x64xf32>
    %dot_general3A = arith.constant dense<0.000000e+00> : vector<3200x64xf32>
    %dot_general3A_5 = tpu.matmul %get3A_1, %get3A_4, %dot_general3A {dimension_numbers = #tpu.dot_dimension_numbers<[1], [0], [0], [1], [0, 0, 1, 1], [], []>, transpose_lhs_hint = false} : vector<3200x128xf32>, vector<128x64xf32>, vector<3200x64xf32> -> vector<3200x64xf32>
    %get3A_6 = arith.constant 0 : index
    %get3A_7 = arith.constant 0 : index
    %get3A_8 = vector.load %arg3[%get3A_6, %get3A_7] : memref<1x64xf32, #tpu.memory_space<vmem>>, vector<1x64xf32>
    %add3A = vector.broadcast %get3A_8 : vector<1x64xf32> to vector<3200x64xf32>
    %add3A_9 = arith.addf %dot_general3A_5, %add3A : vector<3200x64xf32>
    %slice3A = vector.extract_strided_slice %add3A_9 {offsets = [0, 0], sizes = [3200, 32], strides = [1, 1]} : vector<3200x64xf32> to vector<3200x32xf32>
    %slice3A_10 = vector.extract_strided_slice %add3A_9 {offsets = [0, 32], sizes = [3200, 32], strides = [1, 1]} : vector<3200x64xf32> to vector<3200x32xf32>
    %mul3A = arith.mulf %slice3A, %slice3A_10 : vector<3200x32xf32>
    %reduce_sum3A = arith.constant dense<0.000000e+00> : vector<3200xf32>
    %reduce_sum3A_11 = vector.multi_reduction <add>, %mul3A, %reduce_sum3A [1] : vector<3200x32xf32> to vector<3200xf32>
    %broadcast_in_dim3A = vector.shape_cast %reduce_sum3A_11 : vector<3200xf32> to vector<3200x1xf32>
    %swap3A = arith.constant 0 : index
    %swap3A_12 = arith.constant 0 : index
    %swap3A_13 = vector.load %arg4[%swap3A, %swap3A_12] : memref<3200x1xf32, #tpu.memory_space<vmem>>, vector<3200x1xf32>
    tpu.vector_store %arg4[%swap3A, %swap3A_12], %broadcast_in_dim3A {strides = array<i32>} : memref<3200x1xf32, #tpu.memory_space<vmem>>, vector<3200x1xf32>,
    %eq3A = arith.constant 0 : i32
    %eq3A_14 = arith.cmpi eq, %arg0, %eq3A : i32
    %convert_element_type3A = arith.extui %eq3A_14 : i1 to i32
    %cond3A = arith.constant 0 : i32
    %cond3A_15 = arith.cmpi ne, %convert_element_type3A, %cond3A : i32
    scf.if %cond3A_15 {
      %broadcast_in_dim3A_27 = arith.constant 0xFF800000 : f32
      %broadcast_in_dim3A_28 = vector.broadcast %broadcast_in_dim3A_27 : f32 to vector<8x128xf32>
      %swap3A_29 = arith.constant 0 : index
      %swap3A_30 = arith.constant 0 : index
      %swap3A_31 = vector.load %arg5[%swap3A_29, %swap3A_30] : memref<8x128xf32, #tpu.memory_space<vmem>>, vector<8x128xf32>
      tpu.vector_store %arg5[%swap3A_29, %swap3A_30], %broadcast_in_dim3A_28 {strides = array<i32>} : memref<8x128xf32, #tpu.memory_space<vmem>>, vector<8x128xf32>,
    } else {
    }
    %get3A_16 = arith.constant 0 : index
    %get3A_17 = arith.constant 0 : index
    %get3A_18 = vector.load %arg5[%get3A_16, %get3A_17] : memref<8x128xf32, #tpu.memory_space<vmem>>, vector<8x128xf32>
    %reduce_max3A = vector.shape_cast %broadcast_in_dim3A : vector<3200x1xf32> to vector<1x3200x1xf32>
    %reduce_max3A_19 = arith.constant dense<0xFF800000> : vector<1xf32>
    %reduce_max3A_20 = vector.multi_reduction <maximumf>, %reduce_max3A, %reduce_max3A_19 [1, 2] : vector<1x3200x1xf32> to vector<1xf32>
    %reduce_max3A_21 = vector.shape_cast %reduce_max3A_20 : vector<1xf32> to vector<1x1x1xf32>
    %reduce_max3A_22 = vector.extract %reduce_max3A_21[0, 0, 0] : f32 from vector<1x1x1xf32>
    %max3A = vector.broadcast %reduce_max3A_22 : f32 to vector<8x128xf32>
    %max3A_23 = arith.maximumf %get3A_18, %max3A : vector<8x128xf32>
    %swap3A_24 = arith.constant 0 : index
    %swap3A_25 = arith.constant 0 : index
    %swap3A_26 = vector.load %arg5[%swap3A_24, %swap3A_25] : memref<8x128xf32, #tpu.memory_space<vmem>>, vector<8x128xf32>
    tpu.vector_store %arg5[%swap3A_24, %swap3A_25], %max3A_23 {strides = array<i32>} : memref<8x128xf32, #tpu.memory_space<vmem>>, vector<8x128xf32>,
    return
  }
  func.func @transform_0(%arg0: i32) -> (i32, i32) {
    %c0_i32 = arith.constant 0 : i32
    %c0_i32_0 = arith.constant 0 : i32
    return %arg0, %c0_i32 : i32, i32
  }
  func.func @transform_1(%arg0: i32) -> (i32, i32) {
    %c0_i32 = arith.constant 0 : i32
    %c0_i32_0 = arith.constant 0 : i32
    %c0_i32_1 = arith.constant 0 : i32
    return %c0_i32, %c0_i32_0 : i32, i32
  }
  func.func @transform_2(%arg0: i32) -> (i32, i32) {
    %c0_i32 = arith.constant 0 : i32
    %c0_i32_0 = arith.constant 0 : i32
    %c0_i32_1 = arith.constant 0 : i32
    return %c0_i32, %c0_i32_0 : i32, i32
  }
  func.func @transform_3(%arg0: i32) -> (i32, i32) {
    %c0_i32 = arith.constant 0 : i32
    %c0_i32_0 = arith.constant 0 : i32
    return %arg0, %c0_i32 : i32, i32
  }
  func.func @transform_4(%arg0: i32) -> (i32, i32) {
    %c0_i32 = arith.constant 0 : i32
    %c0_i32_0 = arith.constant 0 : i32
    %c0_i32_1 = arith.constant 0 : i32
    return %c0_i32, %c0_i32_0 : i32, i32
  }
}

</mosaic_0001>

<sc_bundles>
// kernel: kernel.4.cloned.1.call-start
scs
__scs_entry_jumppad:
0x0: {  	(pc) =	sbr.rel $0x88, $3  }
0x1: {  	(tag) =	ssettag $0x0;
	lr =	simm.s32 $0x1  }
0x2: {  	[smem:$0x3F9B] =	sst lr;
	_ =	strace $0xD0000000  }
0x3: {  	_ = 	snop  }
0x4: {  	_ = 	snop  }
0x5: {  	_ = 	snop  }
0x6: {  	_ = 	snop  }
0x7: {  	_ = 	snop  }
__scs_overlays_trampoline_lowered:
0x8: {  	[smem:$0x3FAA] =	sst s0  }
0x9: {  	[smem:$0x3FAB] =	sst s1  }
0xa: {  	[smem:$0x3FAC] =	sst s2  }
0xb: {  	[smem:$0x3FAD] =	sst s3  }
0xc: {  	[smem:$0x3FAE] =	sst s4  }
0xd: {  	[smem:$0x3FAF] =	sst s5  }
0xe: {  	[smem:$0x3FB0] =	sst s6  }
0xf: {  	[smem:$0x3FB1] =	sst s7  }
0x10: {  	[smem:$0x3FB2] =	sst s8  }
0x11: {  	[smem:$0x3FB3] =	sst s9;
	s0 =	simm.s32 @!p0 $0x0  }
0x12: {  	s1 =	sld [smem:$0x3F99];
	s0 =	simm.s32 @p0 $0x1  }
0x13: {  	[smem:$0x3FB4] =	sst s0;
	s0 =	simm.s32 @!p1 $0x0  }
0x14: {  	s2 =	sld [smem:$0x3F98];
	s0 =	simm.s32 @p1 $0x1  }
0x15: {  	[smem:$0x3FB5] =	sst s0;
	s0 =	simm.s32 @!p2 $0x0  }
0x16: {  	s3 =	sld [smem:$0x3FDB];
	s0 =	simm.s32 @p2 $0x1  }
0x17: {  	s4 =	simm.s32 $0x1BF5;
	[smem:$0x3FB7] =	sst s0  }
0x18: {  	s0 =	sld [smem:$0x3F9A];
	_ =	swait.ge [sflag:s4], $0x0  }
0x19: {  	s7 =	sld [smem:$0x3F9B]  }
0x1a: {  	s8 =	sadd.s32 $0xFFFFE003, lr  }
0x1b: {  	s9 =	sadd.s32 $0xFFFFFEF7, lr;
	s5 =	simm.s32 $0xFFFFFFFF;
	p2 =	slt.u32 s8, $0xFFFFF086  }
0x1c: {  	p1 =	slt.u32 s9, $0xF7A;
	s5 =	simm.s32 @!p2 $0x0  }
0x1d: {  	s5 =	simm.s32 @p1 $0x1;
	p0 =	seq.s32 s7, s2  }
0x1e: {  	s7 =	smul.u32 @!p0 $0xF7A, s2;
	p2 =	seq.s32 @!p0 s5, $0x0  }
0x1f: {  	s9 =	smul.u32 $0xF7A, s1;
	s8 =	simm.s32 @!p0 $0x1BF5;
	p2 =	por !p2, p0  }
0x20: {  	[sflag:s8] =	ssyncset.s32 @!p0 $0xFFFFF086;
	s6 =	sadd.s32 @!p0 s3, s7;
	s7 =	simm.s32 @!p0 $0x108  }
0x21: {  	s3 =	sadd.s32 s3, s9;
	s6 =	sadd.s32 @!p0 $0x88, s6;
	s7 =	simm.s32 @p2 $0x1082  }
0x22: {  	[simem:s7], [sflag:s8] =	dma.local @!p0 [hbm:s6], $0xF7A  }
0x23: {  	s9 =	sor.u32 $0xD0000000, s2;
	s6 =	simm.s32 $0x108;
	_ =	swait.ge @!p0 [sflag:s8], $0x0  }
0x24: {  	s3 =	sadd.s32 $0x88, s3;
	s6 =	simm.s32 @!p1 $0x1082;
	[sflag:s4] =	ssyncset.s32 $0xFFFFF086  }
0x25: {  	[simem:s6], [sflag:s4] =	dma.local [hbm:s3], $0xF7A  }
0x26: {  	[smem:$0x3F9B] =	sst s1;
	(tag) =	ssettag s2;
	_ =	strace s9  }
0x27: {  	s1 =	sld [smem:$0x3FAB]  }
0x28: {  	s2 =	sld [smem:$0x3FAC]  }
0x29: {  	s4 =	sld [smem:$0x3FAE]  }
0x2a: {  	p0 =	seq.s32 s5, $0x0;
	s5 =	sld [smem:$0x3FAF]  }
0x2b: {  	s6 =	sld [smem:$0x3FB0]  }
0x2c: {  	s7 =	sld [smem:$0x3FB1]  }
0x2d: {  	s3 =	simm.s32 $0x108;
	s8 =	sld [smem:$0x3FB2]  }
0x2e: {  	s3 =	simm.s32 @!p0 $0x1082;
	s9 =	sld [smem:$0x3FB3]  }
0x2f: {  	lr =	sadd.s32 s0, s3;
	s0 =	sld [smem:$0x3FAA]  }
0x30: {  	s3 =	sld [smem:$0x3FAD]  }
0x31: {  	[smem:$0x3FB6] =	sst s10  }
0x32: {  	s10 =	sld [smem:$0x3FB4];
	_ =	sdelay $0x3  }
0x33: {  	p0 =	seq.s32 s10, $0x1;
	s10 =	sld [smem:$0x3FB6];
	_ =	sdelay $0x3  }
0x34: {  	[smem:$0x3FB6] =	sst s10  }
0x35: {  	s10 =	sld [smem:$0x3FB5];
	_ =	sdelay $0x3  }
0x36: {  	p1 =	seq.s32 s10, $0x1;
	s10 =	sld [smem:$0x3FB6];
	_ =	sdelay $0x3  }
0x37: {  	[smem:$0x3FB6] =	sst s10  }
0x38: {  	s10 =	sld [smem:$0x3FB7]  }
0x39: {  	_ = 	snop;
	(pc) =	sbr.ind lr, $3  }
0x3a: {  	_ = 	snop  }
0x3b: {  	_ = 	snop  }
0x3c: {  	p2 =	seq.s32 s10, $0x1;
	s10 =	sld [smem:$0x3FB6]  }
0x3d: {  	_ =	shalt  }
0x3e: {  	_ =	shalt  }
0x3f: {  	_ =	shalt  }
0x40: {  	_ =	shalt  }
0x41: {  	_ =	shalt  }
0x42: {  	_ =	shalt  }
0x43: {  	_ =	shalt  }
0x44: {  	_ =	shalt  }
0x45: {  	_ =	shalt  }
0x46: {  	_ =	shalt  }
0x47: {  	_ =	shalt  }
0x48: {  	_ =	shalt  }
0x49: {  	_ =	shalt  }
0x4a: {  	_ =	shalt  }
0x4b: {  	_ =	shalt  }
0x4c: {  	_ =	shalt  }
0x4d: {  	_ =	shalt  }
0x4e: {  	_ =	shalt  }
0x4f: {  	_ =	shalt  }
0x50: {  	_ =	shalt  }
0x51: {  	_ =	shalt  }
0x52: {  	_ =	shalt  }
0x53: {  	_ =	shalt  }
0x54: {  	_ =	shalt  }
0x55: {  	_ =	shalt  }
0x56: {  	_ =	shalt  }
0x57: {  	_ =	shalt  }
0x58: {  	_ =	shalt  }
0x59: {  	_ =	shalt  }
0x5a: {  	_ =	shalt  }
0x5b: {  	_ =	shalt  }
0x5c: {  	_ =	shalt  }
0x5d: {  	_ =	shalt  }
0x5e: {  	_ =	shalt  }
0x5f: {  	_ =	shalt  }
0x60: {  	_ =	shalt  }
0x61: {  	_ =	shalt  }
0x62: {  	_ =	shalt  }
0x63: {  	_ =	shalt  }
0x64: {  	_ =	shalt  }
0x65: {  	_ =	shalt  }
0x66: {  	_ =	shalt  }
0x67: {  	_ =	shalt  }
0x68: {  	_ =	shalt  }
0x69: {  	_ =	shalt  }
0x6a: {  	_ =	shalt  }
0x6b: {  	_ =	shalt  }
0x6c: {  	_ =	shalt  }
0x6d: {  	_ =	shalt  }
0x6e: {  	_ =	shalt  }
0x6f: {  	_ =	shalt  }
0x70: {  	_ =	shalt  }
0x71: {  	_ =	shalt  }
0x72: {  	_ =	shalt  }
0x73: {  	_ =	shalt  }
0x74: {  	_ =	shalt  }
0x75: {  	_ =	shalt  }
0x76: {  	_ =	shalt  }
0x77: {  	_ =	shalt  }
0x78: {  	_ =	shalt  }
0x79: {  	_ =	shalt  }
0x7a: {  	_ =	shalt  }
0x7b: {  	_ =	shalt  }
0x7c: {  	_ =	shalt  }
0x7d: {  	_ =	shalt  }
0x7e: {  	_ =	shalt  }
0x7f: {  	_ =	shalt  }
0x80: {  	_ =	shalt  }
0x81: {  	_ =	shalt  }
0x82: {  	_ =	shalt  }
0x83: {  	_ =	shalt  }
0x84: {  	_ =	shalt  }
0x85: {  	_ =	shalt  }
0x86: {  	_ =	shalt  }
0x87: {  	_ =	shalt  }
.Lfunc_end0:
.L_simem_size_0:
called_computation_lowered:
.L_overlay_start_0:
0x88: {  	s2 =	sld [smem:$0x3FD9]  }
0x89: {  	s3 =	sld [smem:$0x3FFE];
	_ =	sdelay $0x1  }
0x8a: {  	s1 =	srdreg.scid  }
0x8b: {  	s0 =	sand.u32 $0x1, s1  }
0x8c: {  	s17 =	sshll.u32 s0, $0xA;
	s2 =	sadd.s32 s3, s2  }
0x8d: {  	s2 =	sadd.s32 s2, s17  }
0x8e: {  	[smem:$0x3FC2] =	sst s2  }
0x8f: {  	_ = 	snop  }
0x90: {  	s2 =	sld [smem:$0x3FD0];
	(tm) =	ssettm $0x1  }
0x91: {  	s18 =	sld [smem:$0x3FFB];
	_ =	sdelay $0x3  }
0x92: {  	_ =	strace s18  }
0x93: {  	s3 =	sld [smem:$0x3FFC];
	_ =	sdelay $0x3  }
0x94: {  	_ =	strace s3  }
0x95: {  	s3 =	sld [smem:$0x3FFD];
	_ =	sdelay $0x3  }
0x96: {  	_ =	strace s3  }
0x97: {  	_ =	strace $0x8FFFFFFF  }
0x98: {  	s19 =	sld [smem:$0x3FDB];
	_ =	sdelay $0x1  }
0x99: {  	s4 =	simm.s32 $_scs_section_size  }
0x9a: {  	s5 =	simm.s32 $_size__tile_overlayer_lowered;
	s6 =	simm.s32 $_tile_overlayer_lowered  }
0x9b: {  	s22 =	simm.s32 $0x1BFF;
	s21 =	sshll.u32 s6, $0x1;
	s3 =	sadd.s32 s4, s19  }
0x9c: {  	s7 =	simm.s32 $0x0;
	s20 =	sshll.u32 s5, $0x1;
	s5 =	sadd.s32 s21, s3  }
0x9d: {  	[timem:s7], [sflag:s22] =	dma.local [hbm:s5], s20  }
0x9e: {  	_ =	swait.ge [sflag:s22], s20  }
0x9f: {  	s4 =	ssub.s32 $0x0, s20;
	[sflag:s22] =	ssyncset.done $0x0  }
0xa0: {  	[sflag:s22] =	ssyncadd.s32 s4;
	_ =	sdelay $0x1  }
0xa1: {  	s23 =	simm.s32 $0x1B8B  }
0xa2: {  	_ =	swait.ge [sflag:s23], $0x1  }
0xa3: {  	[sflag:s23] =	ssyncset.done $0x0  }
0xa4: {  	s25 =	simm.s32 $0x1B8E;
	s24 =	sld [smem:$0x3FFE];
	[sflag:s23] =	ssyncadd.s32 $0xFFFFFFFF  }
0xa5: {  	s26 =	simm.s32 $execute0_lowered;
	[smem:$0x3FD2] =	sst s25  }
0xa6: {  	s5 =	sshll.u32 s26, $0x1;
	_ =	strace $0x80000046;
	[dreg:$0x1] =	wrdreg $0xFFFFFFFF  }
0xa7: {  	s28 =	simm.s32 $_size_execute0_lowered;
	s3 =	sadd.s32 s3, s5;
	[dreg:$0x0] =	wrdreg $0x0  }
0xa8: {  	s5 =	sshll.u32 s28, $0x1;
	[dreg:$0x2] =	wrdreg s3  }
0xa9: {  	[dreg:$0x3] =	wrdreg s5  }
0xaa: {  	[dreg:$0x4] =	wrdreg $0xC0  }
0xab: {  	_ =	task [dreg:s7], $0x5FFFF  }
0xac: {  	[dreg:$0x1] =	wrdreg $0xFFFFFFFF  }
0xad: {  	[dreg:$0x0] =	wrdreg $0x60  }
0xae: {  	[dreg:$0x2] =	wrdreg s24  }
0xaf: {  	[dreg:$0x3] =	wrdreg s2  }
0xb0: {  	[dreg:$0x4] =	wrdreg $0xCB000  }
0xb1: {  	[dreg:$0x5] =	wrdreg $0x9  }
0xb2: {  	_ =	task.clear_ibuf [dreg:s7], $0x6FFFF;
	_ =	strace $0x90000046  }
0xb3: {  	s29 =	simm.s32 $0x9;
	_ =	strace $0x80000048  }
0xb4: {  	_ =	swait.ge [sflag:s29], $0x1  }
0xb5: {  	[sflag:s29] =	ssyncadd.s32 $0xFFFFFFFF  }
0xb6: {  	_ =	strace $0x90000048  }
0xb7: {  	_ =	sfence  }
0xb8: {  	s30 =	sld [smem:$0x0];
	_ =	sdelay $0x2  }
0xb9: {  	s31 =	sshll.u32 s1, $0xD;
	s1 =	sshrl.u32 s1, $0x2  }
0xba: {  	s3 =	sand.u32 $0x4000, s31;
	s1 =	sadd.s32 s1, s30  }
0xbb: {  	s0 =	sor.u32 s3, s0;
	s1 =	sshll.u32 s1, $0x11  }
0xbc: {  	s0 =	sor.u32 s1, s0  }
0xbd: {  	s0 =	sadd.s32 $0x8F2B, s0  }
0xbe: {  	[sflag:s0] =	ssyncadd.remote.s32 $0x1  }
0xbf: {  	_ =	sfence.sel $0xFFFF  }
0xc0: {  	[dreg:$0x0] =	wrdreg $0xFFFFFFFF;
	(pc) =	sbr.abs _section_cstart, $3  }
0xc1: {  	[dreg:$0x1] =	wrdreg $0xFFFFFFFF  }
0xc2: {  	_ =	task.clear_ibuf [dreg:s7], $0x2FFFF;
	_ =	strace $0x9FFFFFFF  }
0xc3: {  	(tm) =	ssettm $0x7FFFFFFF  }
tec
execute0_lowered:
.L_overlay_start_1:
0x0: {  	(tag) =	ssettag $0x1  }
0x1: {  	s5 =	rddreg [dreg:$0x0]  }
0x2: {  	s2 =	rddreg [dreg:$0x1];
	s0 =	stileid.u32  }
0x3: {  	s1 =	srdreg.scid;
	s3 =	rddreg [dreg:$0x2]  }
0x4: {  	s4 =	simm.s32 $0x0;
	s13 =	simm.s32 $0xA000;
	s7 =	smul.u32 $0xA0, s0  }
0x5: {  	s14 =	simm.s32 $0xC880;
	s6 =	sand.u32 $0x1, s1;
	s9 =	smul.u32 $0xA00, s0  }
0x6: {  	s15 =	simm.s32 $0x80;
	s16 =	simm.s32 $0x1;
	s8 =	smul.u32 $0x50, s6  }
0x7: {  	s17 =	simm.s32 $0xA080;
	[smem:$0x7FF] =	sst s4;
	s12 =	smul.u32 $0xA000, s6  }
0x8: {  	s1 =	rddreg [dreg:$0x3];
	_ =	strace $0x80000047;
	s10 =	ssub.s32 $0x2, s6  }
0x9: {  	s29 =	sadd.s32 s9, s5;
	s7 =	sadd.s32 s8, s7;
	s8 =	sshrl.u32 s12, $0x2  }
0xa: {  	s30 =	sshrl.u32 s10, $0x1;
	s31 =	sshrl.u32 s9, $0x2;
	s18 =	sadd.s32 $0x5040, s8  }
0xb: {  	s10 =	ssub.s32 s10, s30;
	s6 =	sadd.s32 $0x4E2400, s29;
	s12 =	simm.s32 $0x5000;
	v1 =	vmov s18  }
0xc: {  	s7 =	sshll.u32 s7, $0x4;
	s10 =	smax.u32 s10, $0x1;
	s19 =	sor.u32 $0x70, s8  }
0xd: {  	s11 =	sadd.s32 s7, s5;
	s5 =	sadd.s32 $0x400, s29;
	s7 =	sadd.s32 s31, s3  }
0xe: {  	v0 =	vimm.f32 $0.0e+00;
	v2 =	vmov s19;
	s18 =	simm.s32 $0x0;
	s9 =	sadd.s32 $0xA400, s11;
	s11 =	simm.s32 $0x2  }
.LBB2_1:
0xf: {  	[tilespmem:s4], [sflag:$0x2] =	stream.linear.gather [hbm4b:s5+s4], $0x5000, $0x38;
	[tilespmem:$0xCD80] =	vst v63  }
0x10: {  	_ =	swait.ge [sflag:s11], $0x5000  }
0x11: {  	[sflag:s11] =	ssyncset.done $0x0  }
0x12: {  	[sflag:s11] =	ssyncadd.s32 $0xFFFFB000  }
0x13: {  	[tilespmem:s12], [sflag:$0x2] =	stream.linear.gather [hbm4b:s6+s4], $0x5000, $0x38;
	[tilespmem:$0xCD80] =	vst v63  }
0x14: {  	_ =	swait.ge [sflag:s11], $0x5000  }
0x15: {  	[sflag:s11] =	ssyncset.done $0x0  }
0x16: {  	[sflag:s11] =	ssyncadd.s32 $0xFFFFB000  }
0x17: {  	[tilespmem:s13], [sflag:$0x2] =	stream.linear.gather [hbm4b:s2+s4], $0x80, $0x38;
	[tilespmem:$0xCD80] =	vst v63  }
0x18: {  	_ =	swait.ge [sflag:s11], $0x80  }
0x19: {  	[sflag:s11] =	ssyncset.done $0x0  }
0x1a: {  	[sflag:s11] =	ssyncadd.s32 $0xFFFFFF80  }
0x1b: {  	[tilespmem:$0xC880] =	vst v0  }
0x1c: {  	[tilespmem:$0xC890] =	vst v0  }
0x1d: {  	[tilespmem:$0xC8A0] =	vst v0  }
0x1e: {  	[tilespmem:$0xC8B0] =	vst v0  }
0x1f: {  	[tilespmem:$0xC8C0] =	vst v0  }
0x20: {  	[tilespmem:$0xC8D0] =	vst v0  }
0x21: {  	[tilespmem:$0xC8E0] =	vst v0  }
0x22: {  	[tilespmem:$0xC8F0] =	vst v0  }
0x23: {  	[tilespmem:$0xC900] =	vst v0  }
0x24: {  	[tilespmem:$0xC910] =	vst v0  }
0x25: {  	[tilespmem:$0xC920] =	vst v0  }
0x26: {  	[tilespmem:$0xC930] =	vst v0  }
0x27: {  	[tilespmem:$0xC940] =	vst v0  }
0x28: {  	[tilespmem:$0xC950] =	vst v0  }
0x29: {  	[tilespmem:$0xC960] =	vst v0  }
0x2a: {  	[tilespmem:$0xC970] =	vst v0  }
0x2b: {  	[tilespmem:$0xC980] =	vst v0  }
0x2c: {  	[tilespmem:$0xC990] =	vst v0  }
0x2d: {  	[tilespmem:$0xC9A0] =	vst v0  }
0x2e: {  	[tilespmem:$0xC9B0] =	vst v0  }
0x2f: {  	[tilespmem:$0xC9C0] =	vst v0  }
0x30: {  	[tilespmem:$0xC9D0] =	vst v0  }
0x31: {  	[tilespmem:$0xC9E0] =	vst v0  }
0x32: {  	[tilespmem:$0xC9F0] =	vst v0  }
0x33: {  	[tilespmem:$0xCA00] =	vst v0  }
0x34: {  	[tilespmem:$0xCA10] =	vst v0  }
0x35: {  	[tilespmem:$0xCA20] =	vst v0  }
0x36: {  	[tilespmem:$0xCA30] =	vst v0  }
0x37: {  	[tilespmem:$0xCA40] =	vst v0  }
0x38: {  	[tilespmem:$0xCA50] =	vst v0  }
0x39: {  	[tilespmem:$0xCA60] =	vst v0  }
0x3a: {  	[tilespmem:$0xCA70] =	vst v0  }
0x3b: {  	[tilespmem:$0xCA80] =	vst v0  }
0x3c: {  	[tilespmem:$0xCA90] =	vst v0  }
0x3d: {  	[tilespmem:$0xCAA0] =	vst v0  }
0x3e: {  	[tilespmem:$0xCAB0] =	vst v0  }
0x3f: {  	[tilespmem:$0xCAC0] =	vst v0  }
0x40: {  	[tilespmem:$0xCAD0] =	vst v0  }
0x41: {  	[tilespmem:$0xCAE0] =	vst v0  }
0x42: {  	[tilespmem:$0xCAF0] =	vst v0  }
0x43: {  	v3 =	vld [tilespmem:$0xA000];
	[spmem:s7] =	stream.linear.scatter [tilespmem:s14], [sflag:$0x2], $0x280, $0x38  }
0x44: {  	_ =	swait.ge [sflag:s11], $0x280  }
0x45: {  	[sflag:s11] =	ssyncset.done $0x0  }
0x46: {  	s19 =	simm.s32 $0x0;
	[sflag:s11] =	ssyncadd.s32 $0xFFFFFD80  }
0x47: {  	v7 =	vld [tilespmem:s19+$0x0]  }
0x48: {  	v9 =	vld [tilespmem:s19+$0x10]  }
0x49: {  	v8 =	vld [tilespmem:s19+$0x20]  }
0x4a: {  	v5 =	vld [tilespmem:s19+$0x30]  }
0x4b: {  	v6 =	vld [tilespmem:s19+$0x40]  }
0x4c: {  	v4 =	vld [tilespmem:s19+$0x50];
	v10 =	vsub.f32 v7, v3  }
0x4d: {  	s20 =	simm.s32 $0x200;
	v9 =	vsub.f32 v9, v3;
	v7 =	vld [tilespmem:s19+$0x60]  }
.LBB2_2:
0x4e: {  	p0 =	sne.s32 s20, $0x13E00;
	v10 =	vmul.f32 $1.442695020e+00, v10;
	v8 =	vsub.f32 v8, v3;
	v11 =	vld [tilespmem:s19+$0x70]  }
0x4f: {  	v9 =	vmul.f32 $1.442695020e+00, v9;
	v5 =	vsub.f32 v5, v3  }
0x50: {  	v8 =	vmul.f32 $1.442695020e+00, v8;
	v6 =	vsub.f32 v6, v3;
	(erf) = vpow2.f32 v10  }
0x51: {  	v5 =	vmul.f32 $1.442695020e+00, v5;
	v4 =	vsub.f32 v4, v3;
	(erf) = vpow2.f32 v9  }
0x52: {  	v6 =	vmul.f32 $1.442695020e+00, v6;
	v7 =	vsub.f32 v7, v3;
	(erf) = vpow2.f32 v8  }
0x53: {  	v4 =	vmul.f32 $1.442695020e+00, v4;
	v8 =	vsub.f32 v11, v3;
	(erf) = vpow2.f32 v5  }
0x54: {  	v5 =	vmul.f32 $1.442695020e+00, v7;
	(erf) = vpow2.f32 v6  }
0x55: {  	v6 =	vmul.f32 $1.442695020e+00, v8;
	(erf) = vpow2.f32 v4  }
0x56: {  	(erf) = vpow2.f32 v5  }
0x57: {  	(erf) = vpow2.f32 v6;
	_ =	sdelay $0x1  }
0x58: {  	v4 =	vpop (erf)  }
0x59: {  	s21 =	sshra.s32 s20, $0x2;
	[tilespmem:s19+$0x0] =	vst v4;
	v4 =	vpop (erf)  }
0x5a: {  	v7 =	vld [tilespmem:s21+$0x0];
	[tilespmem:s19+$0x10] =	vst v4;
	v4 =	vpop (erf)  }
0x5b: {  	v9 =	vld [tilespmem:s21+$0x10];
	[tilespmem:s19+$0x20] =	vst v4;
	v4 =	vpop (erf)  }
.Ltmp0:
0x5c: {  	v8 =	vld [tilespmem:s21+$0x20];
	[tilespmem:s19+$0x30] =	vst v4;
	v4 =	vpop (erf);
	(pc) =	sbr.rel @p0 .LBB2_2-.Ltmp0, $4  }
0x5d: {  	v5 =	vld [tilespmem:s21+$0x30];
	[tilespmem:s19+$0x40] =	vst v4;
	v4 =	vpop (erf)  }
0x5e: {  	v6 =	vld [tilespmem:s21+$0x40];
	[tilespmem:s19+$0x50] =	vst v4;
	v11 =	vpop (erf)  }
0x5f: {  	v10 =	vsub.f32 v7, v3;
	v4 =	vld [tilespmem:s21+$0x50];
	[tilespmem:s19+$0x60] =	vst v11;
	v11 =	vpop (erf)  }
0x60: {  	s20 =	sadd.s32 $0x200, s20;
	v9 =	vsub.f32 v9, v3;
	v7 =	vld [tilespmem:s21+$0x60];
	[tilespmem:s19+$0x70] =	vst v11;
	s19 =	smov.u32 s21  }
0x61: {  	v10 =	vmul.f32 $1.442695020e+00, v10;
	v8 =	vsub.f32 v8, v3;
	v11 =	vld [tilespmem:s19+$0x70]  }
0x62: {  	v9 =	vmul.f32 $1.442695020e+00, v9;
	v5 =	vsub.f32 v5, v3  }
0x63: {  	v8 =	vmul.f32 $1.442695020e+00, v8;
	v6 =	vsub.f32 v6, v3;
	(erf) = vpow2.f32 v10  }
0x64: {  	v5 =	vmul.f32 $1.442695020e+00, v5;
	v4 =	vsub.f32 v4, v3;
	(erf) = vpow2.f32 v9  }
0x65: {  	v6 =	vmul.f32 $1.442695020e+00, v6;
	v7 =	vsub.f32 v7, v3;
	(erf) = vpow2.f32 v8  }
0x66: {  	v4 =	vmul.f32 $1.442695020e+00, v4;
	v3 =	vsub.f32 v11, v3;
	(erf) = vpow2.f32 v5  }
0x67: {  	v63 =	vmul.f32 $1.442695020e+00, v7;
	(erf) = vpow2.f32 v6  }
0x68: {  	v3 =	vmul.f32 $1.442695020e+00, v3;
	(erf) = vpow2.f32 v4  }
0x69: {  	(erf) = vpow2.f32 v63  }
0x6a: {  	(erf) = vpow2.f32 v3;
	_ =	sdelay $0x1  }
0x6b: {  	v3 =	vpop (erf)  }
0x6c: {  	[tilespmem:s19+$0x0] =	vst v3;
	v3 =	vpop (erf)  }
0x6d: {  	[tilespmem:s19+$0x10] =	vst v3;
	v3 =	vpop (erf)  }
0x6e: {  	[tilespmem:s19+$0x20] =	vst v3;
	v3 =	vpop (erf)  }
0x6f: {  	[tilespmem:s19+$0x30] =	vst v3;
	v3 =	vpop (erf)  }
0x70: {  	[tilespmem:s19+$0x40] =	vst v3;
	v3 =	vpop (erf)  }
0x71: {  	[tilespmem:s19+$0x50] =	vst v3;
	v3 =	vpop (erf)  }
0x72: {  	[tilespmem:s19+$0x60] =	vst v3;
	v3 =	vpop (erf)  }
0x73: {  	[tilespmem:s19+$0x70] =	vst v3  }
0x74: {  	s26 =	simm.s32 $0x0;
	s20 =	simm.s32 $0x5000;
	[bflag:$0x0] =	sbarrier.arrive $0xFFFF  }
0x75: {  	[spmem:s3] =	stream.indirect.scatter.add.f32 [tilespmem:s26], [sflag:$0x1], $0x1, s20, s15, $0xb8;
	[tilespmem:$0xCD80] =	vst v63  }
0x76: {  	s28 =	simm.s32 $0x80;
	s29 =	simm.s32 $0x5080  }
0x77: {  	[spmem:s3] =	stream.indirect.scatter.add.f32 [tilespmem:s28], [sflag:$0x1], $0x1, s29, s15, $0xb8;
	[tilespmem:$0xCD80] =	vst v63  }
0x78: {  	s30 =	simm.s32 $0x100;
	s31 =	simm.s32 $0x5100  }
0x79: {  	[spmem:s3] =	stream.indirect.scatter.add.f32 [tilespmem:s30], [sflag:$0x1], $0x1, s31, s15, $0xb8;
	[tilespmem:$0xCD80] =	vst v63  }
0x7a: {  	s21 =	simm.s32 $0x180;
	s22 =	simm.s32 $0x5180  }
0x7b: {  	[spmem:s3] =	stream.indirect.scatter.add.f32 [tilespmem:s21], [sflag:$0x1], $0x1, s22, s15, $0xb8;
	[tilespmem:$0xCD80] =	vst v63  }
0x7c: {  	s23 =	simm.s32 $0x200;
	s24 =	simm.s32 $0x5200  }
0x7d: {  	[spmem:s3] =	stream.indirect.scatter.add.f32 [tilespmem:s23], [sflag:$0x1], $0x1, s24, s15, $0xb8;
	[tilespmem:$0xCD80] =	vst v63  }
0x7e: {  	s25 =	simm.s32 $0x280;
	s26 =	simm.s32 $0x5280  }
0x7f: {  	[spmem:s3] =	stream.indirect.scatter.add.f32 [tilespmem:s25], [sflag:$0x1], $0x1, s26, s15, $0xb8;
	[tilespmem:$0xCD80] =	vst v63  }
0x80: {  	s28 =	simm.s32 $0x300;
	s29 =	simm.s32 $0x5300  }
0x81: {  	[spmem:s3] =	stream.indirect.scatter.add.f32 [tilespmem:s28], [sflag:$0x1], $0x1, s29, s15, $0xb8;
	[tilespmem:$0xCD80] =	vst v63  }
0x82: {  	s30 =	simm.s32 $0x380;
	s31 =	simm.s32 $0x5380  }
0x83: {  	[spmem:s3] =	stream.indirect.scatter.add.f32 [tilespmem:s30], [sflag:$0x1], $0x1, s31, s15, $0xb8;
	[tilespmem:$0xCD80] =	vst v63  }
0x84: {  	_ =	swait.ge [sflag:s16], $0x80  }
0x85: {  	[sflag:s16] =	ssyncset.done $0x0  }
0x86: {  	[sflag:s16] =	ssyncadd.s32 $0xFFFFFF80  }
0x87: {  	_ =	swait.ge [sflag:s16], $0x80  }
0x88: {  	[sflag:s16] =	ssyncset.done $0x0  }
0x89: {  	[sflag:s16] =	ssyncadd.s32 $0xFFFFFF80  }
0x8a: {  	_ =	swait.ge [sflag:s16], $0x80  }
0x8b: {  	[sflag:s16] =	ssyncset.done $0x0  }
0x8c: {  	[sflag:s16] =	ssyncadd.s32 $0xFFFFFF80  }
0x8d: {  	_ =	swait.ge [sflag:s16], $0x80  }
0x8e: {  	[sflag:s16] =	ssyncset.done $0x0  }
0x8f: {  	[sflag:s16] =	ssyncadd.s32 $0xFFFFFF80  }
0x90: {  	_ =	swait.ge [sflag:s16], $0x80  }
0x91: {  	[sflag:s16] =	ssyncset.done $0x0  }
0x92: {  	[sflag:s16] =	ssyncadd.s32 $0xFFFFFF80  }
0x93: {  	_ =	swait.ge [sflag:s16], $0x80  }
0x94: {  	[sflag:s16] =	ssyncset.done $0x0  }
0x95: {  	[sflag:s16] =	ssyncadd.s32 $0xFFFFFF80  }
0x96: {  	_ =	swait.ge [sflag:s16], $0x80  }
0x97: {  	[sflag:s16] =	ssyncset.done $0x0  }
0x98: {  	[sflag:s16] =	ssyncadd.s32 $0xFFFFFF80  }
0x99: {  	_ =	swait.ge [sflag:s16], $0x80  }
0x9a: {  	s22 =	simm.s32 $0x2000;
	s21 =	simm.s32 $0x400;
	[sflag:s16] =	ssyncset.done $0x0  }
.LBB2_4:
0x9b: {  	s23 =	sadd.s32 $0x5000, s21  }
0x9c: {  	[sflag:s16] =	ssyncadd.s32 $0xFFFFFF80;
	s20 =	smov.u32 s22;
	s19 =	sadd.s32 $0x1000, s22  }
0x9d: {  	[spmem:s3] =	stream.indirect.scatter.add.f32 [tilespmem:s21], [sflag:$0x1], $0x1, s23, s15, $0xb8;
	[tilespmem:$0xCD80] =	vst v63  }
0x9e: {  	p0 =	sne.s32 s22, $0x13000;
	s22 =	sadd.s32 $0x80, s21;
	s23 =	sadd.s32 $0x5080, s21  }
0x9f: {  	[spmem:s3] =	stream.indirect.scatter.add.f32 [tilespmem:s22], [sflag:$0x1], $0x1, s23, s15, $0xb8;
	[tilespmem:$0xCD80] =	vst v63  }
0xa0: {  	s22 =	sadd.s32 $0x100, s21;
	s23 =	sadd.s32 $0x5100, s21  }
0xa1: {  	[spmem:s3] =	stream.indirect.scatter.add.f32 [tilespmem:s22], [sflag:$0x1], $0x1, s23, s15, $0xb8;
	[tilespmem:$0xCD80] =	vst v63  }
0xa2: {  	s22 =	sadd.s32 $0x180, s21;
	s23 =	sadd.s32 $0x5180, s21  }
0xa3: {  	[spmem:s3] =	stream.indirect.scatter.add.f32 [tilespmem:s22], [sflag:$0x1], $0x1, s23, s15, $0xb8;
	[tilespmem:$0xCD80] =	vst v63  }
0xa4: {  	s22 =	sadd.s32 $0x200, s21;
	s23 =	sadd.s32 $0x5200, s21  }
0xa5: {  	[spmem:s3] =	stream.indirect.scatter.add.f32 [tilespmem:s22], [sflag:$0x1], $0x1, s23, s15, $0xb8;
	[tilespmem:$0xCD80] =	vst v63  }
0xa6: {  	s22 =	sadd.s32 $0x280, s21;
	s23 =	sadd.s32 $0x5280, s21  }
0xa7: {  	[spmem:s3] =	stream.indirect.scatter.add.f32 [tilespmem:s22], [sflag:$0x1], $0x1, s23, s15, $0xb8;
	[tilespmem:$0xCD80] =	vst v63  }
0xa8: {  	s22 =	sadd.s32 $0x300, s21;
	s23 =	sadd.s32 $0x5300, s21  }
0xa9: {  	[spmem:s3] =	stream.indirect.scatter.add.f32 [tilespmem:s22], [sflag:$0x1], $0x1, s23, s15, $0xb8;
	[tilespmem:$0xCD80] =	vst v63  }
0xaa: {  	s22 =	sadd.s32 $0x380, s21;
	s21 =	sadd.s32 $0x5380, s21  }
0xab: {  	[spmem:s3] =	stream.indirect.scatter.add.f32 [tilespmem:s22], [sflag:$0x1], $0x1, s21, s15, $0xb8;
	[tilespmem:$0xCD80] =	vst v63  }
0xac: {  	_ =	swait.ge [sflag:s16], $0x80  }
0xad: {  	[sflag:s16] =	ssyncset.done $0x0  }
0xae: {  	[sflag:s16] =	ssyncadd.s32 $0xFFFFFF80  }
0xaf: {  	_ =	swait.ge [sflag:s16], $0x80  }
0xb0: {  	[sflag:s16] =	ssyncset.done $0x0  }
0xb1: {  	[sflag:s16] =	ssyncadd.s32 $0xFFFFFF80  }
0xb2: {  	_ =	swait.ge [sflag:s16], $0x80  }
0xb3: {  	[sflag:s16] =	ssyncset.done $0x0  }
0xb4: {  	[sflag:s16] =	ssyncadd.s32 $0xFFFFFF80  }
0xb5: {  	_ =	swait.ge [sflag:s16], $0x80  }
0xb6: {  	[sflag:s16] =	ssyncset.done $0x0  }
0xb7: {  	[sflag:s16] =	ssyncadd.s32 $0xFFFFFF80  }
0xb8: {  	_ =	swait.ge [sflag:s16], $0x80  }
0xb9: {  	[sflag:s16] =	ssyncset.done $0x0  }
0xba: {  	[sflag:s16] =	ssyncadd.s32 $0xFFFFFF80  }
0xbb: {  	_ =	swait.ge [sflag:s16], $0x80  }
0xbc: {  	[sflag:s16] =	ssyncset.done $0x0  }
0xbd: {  	[sflag:s16] =	ssyncadd.s32 $0xFFFFFF80  }
.Ltmp1:
0xbe: {  	_ =	swait.ge [sflag:s16], $0x80;
	(pc) =	sbr.rel @p0 .LBB2_4-.Ltmp1, $4  }
0xbf: {  	[sflag:s16] =	ssyncset.done $0x0  }
0xc0: {  	[sflag:s16] =	ssyncadd.s32 $0xFFFFFF80  }
0xc1: {  	_ =	swait.ge [sflag:s16], $0x80  }
0xc2: {  	s21 =	sshra.s32 s20, $0x2;
	s22 =	smov.u32 s19;
	[sflag:s16] =	ssyncset.done $0x0  }
0xc3: {  	s19 =	sadd.s32 $0x5000, s21;
	[sflag:s16] =	ssyncadd.s32 $0xFFFFFF80  }
0xc4: {  	[spmem:s3] =	stream.indirect.scatter.add.f32 [tilespmem:s21], [sflag:$0x1], $0x1, s19, s15, $0xb8;
	[tilespmem:$0xCD80] =	vst v63  }
0xc5: {  	s29 =	sadd.s32 $0x80, s21;
	s20 =	sadd.s32 $0x5080, s21  }
0xc6: {  	[spmem:s3] =	stream.indirect.scatter.add.f32 [tilespmem:s29], [sflag:$0x1], $0x1, s20, s15, $0xb8;
	[tilespmem:$0xCD80] =	vst v63  }
0xc7: {  	s30 =	sadd.s32 $0x100, s21;
	s31 =	sadd.s32 $0x5100, s21  }
0xc8: {  	[spmem:s3] =	stream.indirect.scatter.add.f32 [tilespmem:s30], [sflag:$0x1], $0x1, s31, s15, $0xb8;
	[tilespmem:$0xCD80] =	vst v63  }
0xc9: {  	s22 =	sadd.s32 $0x5180, s21;
	s20 =	sadd.s32 $0x180, s21  }
0xca: {  	[spmem:s3] =	stream.indirect.scatter.add.f32 [tilespmem:s20], [sflag:$0x1], $0x1, s22, s15, $0xb8;
	[tilespmem:$0xCD80] =	vst v63  }
0xcb: {  	s23 =	sadd.s32 $0x200, s21;
	s24 =	sadd.s32 $0x5200, s21  }
0xcc: {  	[spmem:s3] =	stream.indirect.scatter.add.f32 [tilespmem:s23], [sflag:$0x1], $0x1, s24, s15, $0xb8;
	[tilespmem:$0xCD80] =	vst v63  }
0xcd: {  	s25 =	sadd.s32 $0x280, s21;
	s26 =	sadd.s32 $0x5280, s21  }
0xce: {  	[spmem:s3] =	stream.indirect.scatter.add.f32 [tilespmem:s25], [sflag:$0x1], $0x1, s26, s15, $0xb8;
	[tilespmem:$0xCD80] =	vst v63  }
0xcf: {  	s28 =	sadd.s32 $0x300, s21;
	s29 =	sadd.s32 $0x5300, s21  }
0xd0: {  	[spmem:s3] =	stream.indirect.scatter.add.f32 [tilespmem:s28], [sflag:$0x1], $0x1, s29, s15, $0xb8;
	[tilespmem:$0xCD80] =	vst v63  }
0xd1: {  	s30 =	sadd.s32 $0x380, s21;
	s31 =	sadd.s32 $0x5380, s21  }
0xd2: {  	[spmem:s3] =	stream.indirect.scatter.add.f32 [tilespmem:s30], [sflag:$0x1], $0x1, s31, s15, $0xb8;
	[tilespmem:$0xCD80] =	vst v63  }
0xd3: {  	_ =	swait.ge [sflag:s16], $0x80  }
0xd4: {  	[sflag:s16] =	ssyncset.done $0x0  }
0xd5: {  	[sflag:s16] =	ssyncadd.s32 $0xFFFFFF80  }
0xd6: {  	_ =	swait.ge [sflag:s16], $0x80  }
0xd7: {  	[sflag:s16] =	ssyncset.done $0x0  }
0xd8: {  	[sflag:s16] =	ssyncadd.s32 $0xFFFFFF80  }
0xd9: {  	_ =	swait.ge [sflag:s16], $0x80  }
0xda: {  	[sflag:s16] =	ssyncset.done $0x0  }
0xdb: {  	[sflag:s16] =	ssyncadd.s32 $0xFFFFFF80  }
0xdc: {  	_ =	swait.ge [sflag:s16], $0x80  }
0xdd: {  	[sflag:s16] =	ssyncset.done $0x0  }
0xde: {  	[sflag:s16] =	ssyncadd.s32 $0xFFFFFF80  }
0xdf: {  	_ =	swait.ge [sflag:s16], $0x80  }
0xe0: {  	[sflag:s16] =	ssyncset.done $0x0  }
0xe1: {  	[sflag:s16] =	ssyncadd.s32 $0xFFFFFF80  }
0xe2: {  	_ =	swait.ge [sflag:s16], $0x80  }
0xe3: {  	[sflag:s16] =	ssyncset.done $0x0  }
0xe4: {  	[sflag:s16] =	ssyncadd.s32 $0xFFFFFF80  }
0xe5: {  	_ =	swait.ge [sflag:s16], $0x80  }
0xe6: {  	[sflag:s16] =	ssyncset.done $0x0  }
0xe7: {  	[sflag:s16] =	ssyncadd.s32 $0xFFFFFF80  }
0xe8: {  	_ =	swait.ge [sflag:s16], $0x80  }
0xe9: {  	[sflag:s16] =	ssyncset.done $0x0  }
0xea: {  	[sflag:s16] =	ssyncadd.s32 $0xFFFFFF80  }
0xeb: {  	[bflag:$0x0] =	sbarrier.arrive $0xFFFF  }
0xec: {  	[tilespmem:s17], [sflag:$0x2] =	stream.linear.gather [spmem:s3], $0x2800, $0x38;
	[tilespmem:$0xCD80] =	vst v63  }
0xed: {  	_ =	swait.ge [sflag:s11], $0x2800  }
0xee: {  	[sflag:s11] =	ssyncset.done $0x0  }
0xef: {  	s19 =	simm.s32 $0x0;
	[sflag:s11] =	ssyncadd.s32 $0xFFFFD800  }
.LBB2_6:
0xf0: {  	s20 =	sshra.s32 s19, $0x2  }
0xf1: {  	v3 =	vld.idx.msk [tilespmem:v1+s20+$0xFFFFFFC0 ss:$0x1], $0xffff;
	_ =	sdelay $0x7  }
0xf2: {  	v3 =	vld.idx.msk [tilespmem:v3+s17+$0x0], $0xffff;
	_ =	sdelay $0x4  }
0xf3: {  	(erf) = vrcp.f32 v3;
	_ =	sdelay $0x4  }
0xf4: {  	v3 =	vld.idx.msk [tilespmem:v2+s20+$0xFFFFFF90 ss:$0x1], $0xffff;
	_ =	sdelay $0x3  }
0xf5: {  	v4 =	vpop (erf)  }
0xf6: {  	v3 =	vmul.f32 v4, v3;
	_ =	sdelay $0x1  }
0xf7: {  	[tilespmem:v2+s20+$0xFFFFFF90 ss:$0x1] =	vst.idx.msk $0xffff, v3  }
0xf8: {  	v3 =	vld.idx.msk [tilespmem:v1+s20+$0xFFFFFFD0 ss:$0x1], $0xffff;
	_ =	sdelay $0x7  }
0xf9: {  	v3 =	vld.idx.msk [tilespmem:v3+s17+$0x0], $0xffff;
	_ =	sdelay $0x4  }
0xfa: {  	(erf) = vrcp.f32 v3;
	_ =	sdelay $0x4  }
0xfb: {  	v3 =	vld.idx.msk [tilespmem:v2+s20+$0xFFFFFFA0 ss:$0x1], $0xffff;
	_ =	sdelay $0x3  }
0xfc: {  	v57 =	vpop (erf)  }
0xfd: {  	v3 =	vmul.f32 v57, v3;
	_ =	sdelay $0x1  }
0xfe: {  	[tilespmem:v2+s20+$0xFFFFFFA0 ss:$0x1] =	vst.idx.msk $0xffff, v3  }
0xff: {  	v3 =	vld.idx.msk [tilespmem:v1+s20+$0xFFFFFFE0 ss:$0x1], $0xffff;
	_ =	sdelay $0x7  }
0x100: {  	v3 =	vld.idx.msk [tilespmem:v3+s17+$0x0], $0xffff;
	_ =	sdelay $0x4  }
0x101: {  	(erf) = vrcp.f32 v3;
	_ =	sdelay $0x4  }
0x102: {  	v3 =	vld.idx.msk [tilespmem:v2+s20+$0xFFFFFFB0 ss:$0x1], $0xffff;
	_ =	sdelay $0x3  }
0x103: {  	v58 =	vpop (erf)  }
0x104: {  	v3 =	vmul.f32 v58, v3;
	_ =	sdelay $0x1  }
0x105: {  	[tilespmem:v2+s20+$0xFFFFFFB0 ss:$0x1] =	vst.idx.msk $0xffff, v3  }
0x106: {  	v3 =	vld.idx.msk [tilespmem:v1+s20+$0xFFFFFFF0 ss:$0x1], $0xffff;
	_ =	sdelay $0x7  }
0x107: {  	v3 =	vld.idx.msk [tilespmem:v3+s17+$0x0], $0xffff;
	_ =	sdelay $0x4  }
0x108: {  	(erf) = vrcp.f32 v3;
	_ =	sdelay $0x4  }
0x109: {  	v3 =	vld.idx.msk [tilespmem:v2+s20+$0xFFFFFFC0 ss:$0x1], $0xffff;
	_ =	sdelay $0x3  }
0x10a: {  	v59 =	vpop (erf)  }
0x10b: {  	v3 =	vmul.f32 v59, v3;
	_ =	sdelay $0x1  }
0x10c: {  	[tilespmem:v2+s20+$0xFFFFFFC0 ss:$0x1] =	vst.idx.msk $0xffff, v3  }
0x10d: {  	v3 =	vld.idx.msk [tilespmem:v1+s20+$0x0 ss:$0x1], $0xffff;
	_ =	sdelay $0x7  }
0x10e: {  	v3 =	vld.idx.msk [tilespmem:v3+s17+$0x0], $0xffff;
	_ =	sdelay $0x4  }
0x10f: {  	(erf) = vrcp.f32 v3;
	_ =	sdelay $0x4  }
0x110: {  	v3 =	vld.idx.msk [tilespmem:v2+s20+$0xFFFFFFD0 ss:$0x1], $0xffff;
	_ =	sdelay $0x3  }
0x111: {  	v60 =	vpop (erf)  }
0x112: {  	v3 =	vmul.f32 v60, v3;
	_ =	sdelay $0x1  }
0x113: {  	[tilespmem:v2+s20+$0xFFFFFFD0 ss:$0x1] =	vst.idx.msk $0xffff, v3  }
0x114: {  	v3 =	vld.idx.msk [tilespmem:v1+s20+$0x10 ss:$0x1], $0xffff;
	_ =	sdelay $0x7  }
0x115: {  	v3 =	vld.idx.msk [tilespmem:v3+s17+$0x0], $0xffff;
	_ =	sdelay $0x4  }
0x116: {  	(erf) = vrcp.f32 v3;
	_ =	sdelay $0x4  }
0x117: {  	v3 =	vld.idx.msk [tilespmem:v2+s20+$0xFFFFFFE0 ss:$0x1], $0xffff;
	_ =	sdelay $0x3  }
0x118: {  	v61 =	vpop (erf)  }
0x119: {  	v3 =	vmul.f32 v61, v3;
	_ =	sdelay $0x1  }
0x11a: {  	[tilespmem:v2+s20+$0xFFFFFFE0 ss:$0x1] =	vst.idx.msk $0xffff, v3  }
0x11b: {  	v3 =	vld.idx.msk [tilespmem:v1+s20+$0x20 ss:$0x1], $0xffff;
	_ =	sdelay $0x7  }
0x11c: {  	v3 =	vld.idx.msk [tilespmem:v3+s17+$0x0], $0xffff;
	_ =	sdelay $0x4  }
0x11d: {  	(erf) = vrcp.f32 v3;
	_ =	sdelay $0x4  }
0x11e: {  	v3 =	vld.idx.msk [tilespmem:v2+s20+$0xFFFFFFF0 ss:$0x1], $0xffff;
	_ =	sdelay $0x3  }
0x11f: {  	v62 =	vpop (erf)  }
0x120: {  	v3 =	vmul.f32 v62, v3;
	_ =	sdelay $0x1  }
0x121: {  	[tilespmem:v2+s20+$0xFFFFFFF0 ss:$0x1] =	vst.idx.msk $0xffff, v3  }
0x122: {  	v3 =	vld.idx.msk [tilespmem:v1+s20+$0x30 ss:$0x1], $0xffff;
	_ =	sdelay $0x7  }
0x123: {  	v3 =	vld.idx.msk [tilespmem:v3+s17+$0x0], $0xffff;
	_ =	sdelay $0x4  }
0x124: {  	(erf) = vrcp.f32 v3;
	_ =	sdelay $0x4  }
0x125: {  	v3 =	vld.idx.msk [tilespmem:v2+s20+$0x0 ss:$0x1], $0xffff;
	_ =	sdelay $0x1  }
0x126: {  	p0 =	sne.s32 s19, $0x9E00  }
.Ltmp2:
0x127: {  	_ = 	snop;
	(pc) =	sbr.rel @p0 .LBB2_6-.Ltmp2, $3  }
0x128: {  	v63 =	vpop (erf)  }
0x129: {  	v3 =	vmul.f32 v63, v3;
	_ =	sdelay $0x1  }
0x12a: {  	s19 =	sadd.s32 $0x200, s19;
	[tilespmem:v2+s20+$0x0 ss:$0x1] =	vst.idx.msk $0xffff, v3  }
0x12b: {  	s18 =	sadd.s32 $0x1, s18  }
0x12c: {  	p0 =	sne.s32 s18, s10  }
.Ltmp3:
0x12d: {  	_ = 	snop;
	(pc) =	sbr.rel @p0 .LBB2_1-.Ltmp3, $4  }
0x12e: {  	[hbm4b:s9+s4] =	stream.linear.scatter [tilespmem:s8], [sflag:$0x2], $0x2800, $0x38;
	[tilespmem:$0xCD80] =	vst v63  }
0x12f: {  	_ =	swait.ge [sflag:s11], $0x2800  }
0x130: {  	[sflag:s11] =	ssyncset.done $0x0  }
0x131: {  	[sflag:s11] =	ssyncadd.s32 $0xFFFFD800  }
0x132: {  	_ =	sfence.sel $0x180000  }
0x133: {  	[bflag:$0x0] =	sbarrier.arrive $0xFFFF  }
0x134: {  	p0 =	sne.s32 s0, $0x0;
	_ =	strace $0x90000047  }
0x135: {  	s0 =	sadd.s32 @!p0 $0x100000, s1;
	[bflag:$0x2] =	sbarrier.arrive $0xFFFF  }
0x136: {  	[sflag:s0] =	ssyncadd.tile.s32 @!p0 $0x1;
	_ =	shalt  }
.Lfunc_end2:
_tile_overlayer_lowered:
.L_overlay_start_2:
0x137: {  	(tag) =	ssettag $0x2  }
0x138: {  	s0 =	rddreg [dreg:$0x0];
	s2 =	stileid.u32  }
0x139: {  	s1 =	rddreg [dreg:$0x1];
	p0 =	sne.s32 s2, $0x0  }
0x13a: {  	s3 =	rddreg [dreg:$0x2];
	[bflag:$0x3] =	sbarrier.arrive $0xFFFF;
	s2 =	simm.s32 @!p0 $0x1C02  }
0x13b: {  	[timem:s3], [sflag:s2] =	dma.local @!p0 [hbm:s0], s1  }
0x13c: {  	s0 =	simm.s32 @!p0 $0x2  }
0x13d: {  	_ =	swait.ge @!p0 [sflag:s0], s1  }
0x13e: {  	s1 =	ssub.s32 @!p0 $0x0, s1;
	[sflag:s0] =	ssyncset.done @!p0 $0x0  }
0x13f: {  	[sflag:s0] =	ssyncadd.s32 @!p0 s1  }
0x140: {  	[bflag:$0x3] =	sbarrier.arrive $0xFFFF  }
0x141: {  	_ =	shalt  }

</sc_bundles>
